<compile_context>
chip_gen: v7x
topology: tpu7x:2x2x1
jax: 0.10.2.dev20260603
libtpu: 0.0.44.dev20260713+nightly
codegen_flags: <defaults>
</compile_context>

<pallas_src>
import functools

import jax
import jax.numpy as jnp
import numpy as np
from jax import lax
from jax.experimental import pallas as pl
from jax.experimental.pallas import tpu as pltpu
from jax.experimental.pallas import tpu_sc as plsc

WINDOW = 2048
ROWS = 32
NCHUNK = WINDOW // ROWS


def _window_start(max_len: int) -> int:
    if max_len == WINDOW:
        return 0
    return int(np.random.RandomState(0).randint(0, max_len - WINDOW + 1))


def _sc_body(start, ddx, mdx, p, oddx, omdx, op_, buf, pbuf,
             semi0, semi1, semo0, semo1):
    cid = lax.axis_index("c")
    b = lax.axis_index("s")
    semi = [semi0, semi1]
    semo = [semo0, semo1]

    def pump(src, dst):
        def chunk_in(i, t):
            return pltpu.make_async_copy(
                src.at[b, pl.ds(start + i * ROWS, ROWS)], buf.at[t], semi[t])

        def chunk_out(i, t):
            return pltpu.make_async_copy(
                buf.at[t], dst.at[b, pl.ds(i * ROWS, ROWS)], semo[t])

        chunk_in(0, 0).start()
        chunk_in(1, 1).start()

        def step(g, carry):
            for t in range(2):
                i = 2 * g + t
                chunk_in(i, t).wait()
                chunk_out(i, t).start()
            for t in range(2):
                i = 2 * g + t
                chunk_out(i, t).wait()
                nxt = i + 2

                @pl.when(nxt < NCHUNK)
                def _():
                    chunk_in(nxt, t).start()

            return carry

        lax.fori_loop(0, NCHUNK // 2, step, 0)

    @pl.when(cid == 0)
    def _():
        pump(ddx, oddx)
        pin = pltpu.make_async_copy(p.at[b, pl.ds(start, WINDOW)], pbuf, semi0)
        pin.start()
        pin.wait()
        pout = pltpu.make_async_copy(pbuf, op_.at[b], semo0)
        pout.start()
        pout.wait()

    @pl.when(cid == 1)
    def _():
        pump(mdx, omdx)


@jax.jit
def kernel(ddx, mdx, p):
    batch, max_len, dm = ddx.shape
    start = _window_start(max_len)
    mesh = plsc.VectorSubcoreMesh(core_axis_name="c", subcore_axis_name="s")
    out_type = (
        jax.ShapeDtypeStruct((batch, WINDOW, dm), ddx.dtype),
        jax.ShapeDtypeStruct((batch, WINDOW, dm), mdx.dtype),
        jax.ShapeDtypeStruct((batch, WINDOW, p.shape[-1]), p.dtype),
    )
    run = pl.kernel(
        functools.partial(_sc_body, start),
        mesh=mesh,
        out_type=out_type,
        scratch_types=[
            pltpu.VMEM((2, ROWS, dm), ddx.dtype),
            pltpu.VMEM((WINDOW, p.shape[-1]), p.dtype),
            pltpu.SemaphoreType.DMA,
            pltpu.SemaphoreType.DMA,
            pltpu.SemaphoreType.DMA,
            pltpu.SemaphoreType.DMA,
        ],
        compiler_params=pltpu.CompilerParams(use_tc_tiling_on_sc=False),
    )
    return run(ddx, mdx, p)

# --- scband reference (transcript-rebuilt; emitter-appended) ---
"""Pipeline reference for scband-window-cutter-44049184588114 (READ-ONLY COPY).

The authoritative reference and input builder live on the scoring server;
editing this copy changes nothing except your own understanding.
"""

import jax, jax.numpy as jnp
import numpy as np

WINDOWSIZE = 2048

def setup_inputs(seed: int = 0) -> dict:
    key = jax.random.key(seed)
    k1, k2, k3 = jax.random.split(key, 3)
    ddx = jax.random.normal(k1, (16, 4096, 1024), dtype=jnp.float32)
    mdx = jax.random.normal(k2, (16, 4096, 1024), dtype=jnp.float32)
    p = jax.random.normal(k3, (16, 4096, 3), dtype=jnp.float32)
    return {"ddx": ddx, "mdx": mdx, "p": p}

def reference(ddx, mdx, p):
    max_len = ddx.shape[-2]
    if max_len == WINDOWSIZE:
        idx_start = 0
    else:
        # deterministic stand-in for python random.randint(0, max_len - windowsize)
        idx_start = int(np.random.RandomState(0).randint(0, max_len - WINDOWSIZE + 1))
    idx = jnp.arange(idx_start, idx_start + WINDOWSIZE)
    ddx_w = jnp.take(ddx, idx, axis=-2)
    mdx_w = jnp.take(mdx, idx, axis=-2)
    p_w = jnp.take(p, idx, axis=-2)
    return (ddx_w, mdx_w, p_w)

if __name__ == "__main__":
    import jax
    _d = setup_inputs()
    print(jax.jit(kernel)(*tuple(_d.values())))

</pallas_src>

<mosaic_0001>
#map = affine_map<(d0, d1) -> (0, 0, 0)>
module attributes {stable_mosaic.version = 14 : i64} {
  func.func @_sc_body(%arg0: i32, %arg1: i32, %arg2: memref<16x4096x1024xf32, #tpu.memory_space<hbm>>, %arg3: memref<16x4096x1024xf32, #tpu.memory_space<hbm>>, %arg4: memref<16x4096x3xf32, #tpu.memory_space<hbm>>, %arg5: memref<16x2048x1024xf32, #tpu.memory_space<hbm>>, %arg6: memref<16x2048x1024xf32, #tpu.memory_space<hbm>>, %arg7: memref<16x2048x3xf32, #tpu.memory_space<hbm>>, %arg8: memref<2x32x1024xf32, #tpu.memory_space<vmem>>, %arg9: memref<2048x3xf32, #tpu.memory_space<vmem>>, %arg10: memref<!tpu.dma_semaphore, #tpu.memory_space<semaphore_mem>>, %arg11: memref<!tpu.dma_semaphore, #tpu.memory_space<semaphore_mem>>, %arg12: memref<!tpu.dma_semaphore, #tpu.memory_space<semaphore_mem>>, %arg13: memref<!tpu.dma_semaphore, #tpu.memory_space<semaphore_mem>>) attributes {dimension_semantics = [#tpu.dimension_semantics<core_parallel>, #tpu.dimension_semantics<subcore_parallel>], iteration_bounds = array<i64: 2, 16>, scalar_prefetch = 0 : i64, scratch_operands = 6 : i64, tpu.core_type = #tpu.core_type<sc_vector_subcore>, window_params = [{transform_indices = #map}, {transform_indices = #map}, {transform_indices = #map}, {transform_indices = #map}, {transform_indices = #map}, {transform_indices = #map}]} {
    %eq3A = arith.constant 0 : i32
    %eq3A_0 = arith.cmpi eq, %arg0, %eq3A : i32
    %convert_element_type3A = arith.extui %eq3A_0 : i1 to i32
    %cond3A = arith.constant 0 : i32
    %cond3A_1 = arith.cmpi ne, %convert_element_type3A, %cond3A : i32
    scf.if %cond3A_1 {
      %dma_start3A = arith.constant 0 : i32
      %dma_start3A_7 = arith.constant 0 : i32
      %dma_start3A_8 = arith.constant 0 : i32
      %dma_start3A_9 = tpu.memref_slice %arg8[%dma_start3A, %dma_start3A_7, %dma_start3A_8] : memref<2x32x1024xf32, #tpu.memory_space<vmem>> -> memref<1x32x1024xf32, #tpu.memory_space<vmem>>
      %dma_start3A_10 = tpu.memref_squeeze %dma_start3A_9 : memref<1x32x1024xf32, #tpu.memory_space<vmem>> -> memref<32x1024xf32, #tpu.memory_space<vmem>>
      %dma_start3A_11 = arith.constant 1653 : i32
      %dma_start3A_12 = arith.constant 0 : i32
      %dma_start3A_13 = tpu.memref_slice %arg2[%arg1, %dma_start3A_11, %dma_start3A_12] : memref<16x4096x1024xf32, #tpu.memory_space<hbm>> -> memref<1x32x1024xf32, #tpu.memory_space<hbm>>
      %dma_start3A_14 = tpu.memref_squeeze %dma_start3A_13 : memref<1x32x1024xf32, #tpu.memory_space<hbm>> -> memref<32x1024xf32, #tpu.memory_space<hbm>>
      %dma_start3A_15 = arith.constant 0 : i32
      %dma_start3A_16 = arith.constant 0 : i32
      %dma_start3A_17 = tpu.memref_slice %arg8[%dma_start3A, %dma_start3A_15, %dma_start3A_16] : memref<2x32x1024xf32, #tpu.memory_space<vmem>> -> memref<1x32x1024xf32, #tpu.memory_space<vmem>>
      %dma_start3A_18 = tpu.memref_squeeze %dma_start3A_17 : memref<1x32x1024xf32, #tpu.memory_space<vmem>> -> memref<32x1024xf32, #tpu.memory_space<vmem>>
      %dma_start3A_19 = arith.constant 1653 : i32
      %dma_start3A_20 = arith.constant 0 : i32
      %dma_start3A_21 = tpu.memref_slice %arg2[%arg1, %dma_start3A_19, %dma_start3A_20] : memref<16x4096x1024xf32, #tpu.memory_space<hbm>> -> memref<1x32x1024xf32, #tpu.memory_space<hbm>>
      %dma_start3A_22 = tpu.memref_squeeze %dma_start3A_21 : memref<1x32x1024xf32, #tpu.memory_space<hbm>> -> memref<32x1024xf32, #tpu.memory_space<hbm>>
      tpu.enqueue_dma source(%dma_start3A_22 : memref<32x1024xf32, #tpu.memory_space<hbm>>) target(%dma_start3A_18 : memref<32x1024xf32, #tpu.memory_space<vmem>>) target_semaphore(%arg10 : memref<!tpu.dma_semaphore, #tpu.memory_space<semaphore_mem>>)
      %dma_start3A_23 = arith.constant 1 : i32
      %dma_start3A_24 = arith.constant 0 : i32
      %dma_start3A_25 = arith.constant 0 : i32
      %dma_start3A_26 = tpu.memref_slice %arg8[%dma_start3A_23, %dma_start3A_24, %dma_start3A_25] : memref<2x32x1024xf32, #tpu.memory_space<vmem>> -> memref<1x32x1024xf32, #tpu.memory_space<vmem>>
      %dma_start3A_27 = tpu.memref_squeeze %dma_start3A_26 : memref<1x32x1024xf32, #tpu.memory_space<vmem>> -> memref<32x1024xf32, #tpu.memory_space<vmem>>
      %dma_start3A_28 = arith.constant 1685 : i32
      %dma_start3A_29 = arith.constant 0 : i32
      %dma_start3A_30 = tpu.memref_slice %arg2[%arg1, %dma_start3A_28, %dma_start3A_29] : memref<16x4096x1024xf32, #tpu.memory_space<hbm>> -> memref<1x32x1024xf32, #tpu.memory_space<hbm>>
      %dma_start3A_31 = tpu.memref_squeeze %dma_start3A_30 : memref<1x32x1024xf32, #tpu.memory_space<hbm>> -> memref<32x1024xf32, #tpu.memory_space<hbm>>
      %dma_start3A_32 = arith.constant 0 : i32
      %dma_start3A_33 = arith.constant 0 : i32
      %dma_start3A_34 = tpu.memref_slice %arg8[%dma_start3A_23, %dma_start3A_32, %dma_start3A_33] : memref<2x32x1024xf32, #tpu.memory_space<vmem>> -> memref<1x32x1024xf32, #tpu.memory_space<vmem>>
      %dma_start3A_35 = tpu.memref_squeeze %dma_start3A_34 : memref<1x32x1024xf32, #tpu.memory_space<vmem>> -> memref<32x1024xf32, #tpu.memory_space<vmem>>
      %dma_start3A_36 = arith.constant 1685 : i32
      %dma_start3A_37 = arith.constant 0 : i32
      %dma_start3A_38 = tpu.memref_slice %arg2[%arg1, %dma_start3A_36, %dma_start3A_37] : memref<16x4096x1024xf32, #tpu.memory_space<hbm>> -> memref<1x32x1024xf32, #tpu.memory_space<hbm>>
      %dma_start3A_39 = tpu.memref_squeeze %dma_start3A_38 : memref<1x32x1024xf32, #tpu.memory_space<hbm>> -> memref<32x1024xf32, #tpu.memory_space<hbm>>
      tpu.enqueue_dma source(%dma_start3A_39 : memref<32x1024xf32, #tpu.memory_space<hbm>>) target(%dma_start3A_35 : memref<32x1024xf32, #tpu.memory_space<vmem>>) target_semaphore(%arg11 : memref<!tpu.dma_semaphore, #tpu.memory_space<semaphore_mem>>)
      %scan3A = arith.constant 0 : i32
      %scan3A_40 = arith.constant 0 : i32
      %scan3A_41 = arith.constant 32 : i32
      %scan3A_42 = arith.addi %scan3A_40, %scan3A_41 : i32
      %scan3A_43 = arith.constant 1 : i32
      scf.for %scan3A_76 = %scan3A_40 to %scan3A_42 step %scan3A_43  : i32 {
        %mul3A = arith.constant 2 : i32
        %mul3A_77 = arith.muli %mul3A, %scan3A_76 : i32
        %add3A = arith.constant 0 : i32
        %add3A_78 = arith.addi %mul3A_77, %add3A : i32
        %mul3A_79 = arith.constant 32 : i32
        %mul3A_80 = arith.muli %add3A_78, %mul3A_79 : i32
        %add3A_81 = arith.constant 1653 : i32
        %add3A_82 = arith.addi %add3A_81, %mul3A_80 : i32
        %dma_wait3A_83 = arith.constant 0 : i32
        %dma_wait3A_84 = arith.constant 0 : i32
        %dma_wait3A_85 = arith.constant 0 : i32
        %dma_wait3A_86 = tpu.memref_slice %arg8[%dma_wait3A_83, %dma_wait3A_84, %dma_wait3A_85] : memref<2x32x1024xf32, #tpu.memory_space<vmem>> -> memref<1x32x1024xf32, #tpu.memory_space<vmem>>
        %dma_wait3A_87 = tpu.memref_squeeze %dma_wait3A_86 : memref<1x32x1024xf32, #tpu.memory_space<vmem>> -> memref<32x1024xf32, #tpu.memory_space<vmem>>
        %dma_wait3A_88 = arith.constant 0 : i32
        %dma_wait3A_89 = tpu.memref_slice %arg2[%arg1, %add3A_82, %dma_wait3A_88] : memref<16x4096x1024xf32, #tpu.memory_space<hbm>> -> memref<1x32x1024xf32, #tpu.memory_space<hbm>>
        %dma_wait3A_90 = tpu.memref_squeeze %dma_wait3A_89 : memref<1x32x1024xf32, #tpu.memory_space<hbm>> -> memref<32x1024xf32, #tpu.memory_space<hbm>>
        %dma_wait3A_91 = arith.constant 0 : i32
        %dma_wait3A_92 = arith.constant 0 : i32
        %dma_wait3A_93 = tpu.memref_slice %arg8[%dma_wait3A_83, %dma_wait3A_91, %dma_wait3A_92] : memref<2x32x1024xf32, #tpu.memory_space<vmem>> -> memref<1x32x1024xf32, #tpu.memory_space<vmem>>
        %dma_wait3A_94 = tpu.memref_squeeze %dma_wait3A_93 : memref<1x32x1024xf32, #tpu.memory_space<vmem>> -> memref<32x1024xf32, #tpu.memory_space<vmem>>
        %dma_wait3A_95 = arith.constant 0 : i32
        %dma_wait3A_96 = tpu.memref_slice %arg2[%arg1, %add3A_82, %dma_wait3A_95] : memref<16x4096x1024xf32, #tpu.memory_space<hbm>> -> memref<1x32x1024xf32, #tpu.memory_space<hbm>>
        %dma_wait3A_97 = tpu.memref_squeeze %dma_wait3A_96 : memref<1x32x1024xf32, #tpu.memory_space<hbm>> -> memref<32x1024xf32, #tpu.memory_space<hbm>>
        tpu.wait_dma2 semaphore(%arg10 : memref<!tpu.dma_semaphore, #tpu.memory_space<semaphore_mem>>) src(%dma_wait3A_97 : memref<32x1024xf32, #tpu.memory_space<hbm>>) dst(%dma_wait3A_94 : memref<32x1024xf32, #tpu.memory_space<vmem>>)
        %mul3A_98 = arith.constant 32 : i32
        %mul3A_99 = arith.muli %add3A_78, %mul3A_98 : i32
        %dma_start3A_100 = arith.constant 0 : i32
        %dma_start3A_101 = arith.constant 0 : i32
        %dma_start3A_102 = arith.constant 0 : i32
        %dma_start3A_103 = tpu.memref_slice %arg8[%dma_start3A_100, %dma_start3A_101, %dma_start3A_102] : memref<2x32x1024xf32, #tpu.memory_space<vmem>> -> memref<1x32x1024xf32, #tpu.memory_space<vmem>>
        %dma_start3A_104 = tpu.memref_squeeze %dma_start3A_103 : memref<1x32x1024xf32, #tpu.memory_space<vmem>> -> memref<32x1024xf32, #tpu.memory_space<vmem>>
        %dma_start3A_105 = arith.constant 0 : i32
        %dma_start3A_106 = tpu.memref_slice %arg5[%arg1, %mul3A_99, %dma_start3A_105] : memref<16x2048x1024xf32, #tpu.memory_space<hbm>> -> memref<1x32x1024xf32, #tpu.memory_space<hbm>>
        %dma_start3A_107 = tpu.memref_squeeze %dma_start3A_106 : memref<1x32x1024xf32, #tpu.memory_space<hbm>> -> memref<32x1024xf32, #tpu.memory_space<hbm>>
        %dma_start3A_108 = arith.constant 0 : i32
        %dma_start3A_109 = tpu.memref_slice %arg5[%arg1, %mul3A_99, %dma_start3A_108] : memref<16x2048x1024xf32, #tpu.memory_space<hbm>> -> memref<1x32x1024xf32, #tpu.memory_space<hbm>>
        %dma_start3A_110 = tpu.memref_squeeze %dma_start3A_109 : memref<1x32x1024xf32, #tpu.memory_space<hbm>> -> memref<32x1024xf32, #tpu.memory_space<hbm>>
        %dma_start3A_111 = arith.constant 0 : i32
        %dma_start3A_112 = arith.constant 0 : i32
        %dma_start3A_113 = tpu.memref_slice %arg8[%dma_start3A_100, %dma_start3A_111, %dma_start3A_112] : memref<2x32x1024xf32, #tpu.memory_space<vmem>> -> memref<1x32x1024xf32, #tpu.memory_space<vmem>>
        %dma_start3A_114 = tpu.memref_squeeze %dma_start3A_113 : memref<1x32x1024xf32, #tpu.memory_space<vmem>> -> memref<32x1024xf32, #tpu.memory_space<vmem>>
        tpu.enqueue_dma source(%dma_start3A_114 : memref<32x1024xf32, #tpu.memory_space<vmem>>) target(%dma_start3A_110 : memref<32x1024xf32, #tpu.memory_space<hbm>>) target_semaphore(%arg12 : memref<!tpu.dma_semaphore, #tpu.memory_space<semaphore_mem>>)
        %mul3A_115 = arith.constant 2 : i32
        %mul3A_116 = arith.muli %mul3A_115, %scan3A_76 : i32
        %add3A_117 = arith.constant 1 : i32
        %add3A_118 = arith.addi %mul3A_116, %add3A_117 : i32
        %mul3A_119 = arith.constant 32 : i32
        %mul3A_120 = arith.muli %add3A_118, %mul3A_119 : i32
        %add3A_121 = arith.constant 1653 : i32
        %add3A_122 = arith.addi %add3A_121, %mul3A_120 : i32
        %dma_wait3A_123 = arith.constant 1 : i32
        %dma_wait3A_124 = arith.constant 0 : i32
        %dma_wait3A_125 = arith.constant 0 : i32
        %dma_wait3A_126 = tpu.memref_slice %arg8[%dma_wait3A_123, %dma_wait3A_124, %dma_wait3A_125] : memref<2x32x1024xf32, #tpu.memory_space<vmem>> -> memref<1x32x1024xf32, #tpu.memory_space<vmem>>
        %dma_wait3A_127 = tpu.memref_squeeze %dma_wait3A_126 : memref<1x32x1024xf32, #tpu.memory_space<vmem>> -> memref<32x1024xf32, #tpu.memory_space<vmem>>
        %dma_wait3A_128 = arith.constant 0 : i32
        %dma_wait3A_129 = tpu.memref_slice %arg2[%arg1, %add3A_122, %dma_wait3A_128] : memref<16x4096x1024xf32, #tpu.memory_space<hbm>> -> memref<1x32x1024xf32, #tpu.memory_space<hbm>>
        %dma_wait3A_130 = tpu.memref_squeeze %dma_wait3A_129 : memref<1x32x1024xf32, #tpu.memory_space<hbm>> -> memref<32x1024xf32, #tpu.memory_space<hbm>>
        %dma_wait3A_131 = arith.constant 0 : i32
        %dma_wait3A_132 = arith.constant 0 : i32
        %dma_wait3A_133 = tpu.memref_slice %arg8[%dma_wait3A_123, %dma_wait3A_131, %dma_wait3A_132] : memref<2x32x1024xf32, #tpu.memory_space<vmem>> -> memref<1x32x1024xf32, #tpu.memory_space<vmem>>
        %dma_wait3A_134 = tpu.memref_squeeze %dma_wait3A_133 : memref<1x32x1024xf32, #tpu.memory_space<vmem>> -> memref<32x1024xf32, #tpu.memory_space<vmem>>
        %dma_wait3A_135 = arith.constant 0 : i32
        %dma_wait3A_136 = tpu.memref_slice %arg2[%arg1, %add3A_122, %dma_wait3A_135] : memref<16x4096x1024xf32, #tpu.memory_space<hbm>> -> memref<1x32x1024xf32, #tpu.memory_space<hbm>>
        %dma_wait3A_137 = tpu.memref_squeeze %dma_wait3A_136 : memref<1x32x1024xf32, #tpu.memory_space<hbm>> -> memref<32x1024xf32, #tpu.memory_space<hbm>>
        tpu.wait_dma2 semaphore(%arg11 : memref<!tpu.dma_semaphore, #tpu.memory_space<semaphore_mem>>) src(%dma_wait3A_137 : memref<32x1024xf32, #tpu.memory_space<hbm>>) dst(%dma_wait3A_134 : memref<32x1024xf32, #tpu.memory_space<vmem>>)
        %mul3A_138 = arith.constant 32 : i32
        %mul3A_139 = arith.muli %add3A_118, %mul3A_138 : i32
        %dma_start3A_140 = arith.constant 1 : i32
        %dma_start3A_141 = arith.constant 0 : i32
        %dma_start3A_142 = arith.constant 0 : i32
        %dma_start3A_143 = tpu.memref_slice %arg8[%dma_start3A_140, %dma_start3A_141, %dma_start3A_142] : memref<2x32x1024xf32, #tpu.memory_space<vmem>> -> memref<1x32x1024xf32, #tpu.memory_space<vmem>>
        %dma_start3A_144 = tpu.memref_squeeze %dma_start3A_143 : memref<1x32x1024xf32, #tpu.memory_space<vmem>> -> memref<32x1024xf32, #tpu.memory_space<vmem>>
        %dma_start3A_145 = arith.constant 0 : i32
        %dma_start3A_146 = tpu.memref_slice %arg5[%arg1, %mul3A_139, %dma_start3A_145] : memref<16x2048x1024xf32, #tpu.memory_space<hbm>> -> memref<1x32x1024xf32, #tpu.memory_space<hbm>>
        %dma_start3A_147 = tpu.memref_squeeze %dma_start3A_146 : memref<1x32x1024xf32, #tpu.memory_space<hbm>> -> memref<32x1024xf32, #tpu.memory_space<hbm>>
        %dma_start3A_148 = arith.constant 0 : i32
        %dma_start3A_149 = tpu.memref_slice %arg5[%arg1, %mul3A_139, %dma_start3A_148] : memref<16x2048x1024xf32, #tpu.memory_space<hbm>> -> memref<1x32x1024xf32, #tpu.memory_space<hbm>>
        %dma_start3A_150 = tpu.memref_squeeze %dma_start3A_149 : memref<1x32x1024xf32, #tpu.memory_space<hbm>> -> memref<32x1024xf32, #tpu.memory_space<hbm>>
        %dma_start3A_151 = arith.constant 0 : i32
        %dma_start3A_152 = arith.constant 0 : i32
        %dma_start3A_153 = tpu.memref_slice %arg8[%dma_start3A_140, %dma_start3A_151, %dma_start3A_152] : memref<2x32x1024xf32, #tpu.memory_space<vmem>> -> memref<1x32x1024xf32, #tpu.memory_space<vmem>>
        %dma_start3A_154 = tpu.memref_squeeze %dma_start3A_153 : memref<1x32x1024xf32, #tpu.memory_space<vmem>> -> memref<32x1024xf32, #tpu.memory_space<vmem>>
        tpu.enqueue_dma source(%dma_start3A_154 : memref<32x1024xf32, #tpu.memory_space<vmem>>) target(%dma_start3A_150 : memref<32x1024xf32, #tpu.memory_space<hbm>>) target_semaphore(%arg13 : memref<!tpu.dma_semaphore, #tpu.memory_space<semaphore_mem>>)
        %mul3A_155 = arith.constant 2 : i32
        %mul3A_156 = arith.muli %mul3A_155, %scan3A_76 : i32
        %add3A_157 = arith.constant 0 : i32
        %add3A_158 = arith.addi %mul3A_156, %add3A_157 : i32
        %mul3A_159 = arith.constant 32 : i32
        %mul3A_160 = arith.muli %add3A_158, %mul3A_159 : i32
        %dma_wait3A_161 = arith.constant 0 : i32
        %dma_wait3A_162 = arith.constant 0 : i32
        %dma_wait3A_163 = arith.constant 0 : i32
        %dma_wait3A_164 = tpu.memref_slice %arg8[%dma_wait3A_161, %dma_wait3A_162, %dma_wait3A_163] : memref<2x32x1024xf32, #tpu.memory_space<vmem>> -> memref<1x32x1024xf32, #tpu.memory_space<vmem>>
        %dma_wait3A_165 = tpu.memref_squeeze %dma_wait3A_164 : memref<1x32x1024xf32, #tpu.memory_space<vmem>> -> memref<32x1024xf32, #tpu.memory_space<vmem>>
        %dma_wait3A_166 = arith.constant 0 : i32
        %dma_wait3A_167 = tpu.memref_slice %arg5[%arg1, %mul3A_160, %dma_wait3A_166] : memref<16x2048x1024xf32, #tpu.memory_space<hbm>> -> memref<1x32x1024xf32, #tpu.memory_space<hbm>>
        %dma_wait3A_168 = tpu.memref_squeeze %dma_wait3A_167 : memref<1x32x1024xf32, #tpu.memory_space<hbm>> -> memref<32x1024xf32, #tpu.memory_space<hbm>>
        %dma_wait3A_169 = arith.constant 0 : i32
        %dma_wait3A_170 = tpu.memref_slice %arg5[%arg1, %mul3A_160, %dma_wait3A_169] : memref<16x2048x1024xf32, #tpu.memory_space<hbm>> -> memref<1x32x1024xf32, #tpu.memory_space<hbm>>
        %dma_wait3A_171 = tpu.memref_squeeze %dma_wait3A_170 : memref<1x32x1024xf32, #tpu.memory_space<hbm>> -> memref<32x1024xf32, #tpu.memory_space<hbm>>
        %dma_wait3A_172 = arith.constant 0 : i32
        %dma_wait3A_173 = arith.constant 0 : i32
        %dma_wait3A_174 = tpu.memref_slice %arg8[%dma_wait3A_161, %dma_wait3A_172, %dma_wait3A_173] : memref<2x32x1024xf32, #tpu.memory_space<vmem>> -> memref<1x32x1024xf32, #tpu.memory_space<vmem>>
        %dma_wait3A_175 = tpu.memref_squeeze %dma_wait3A_174 : memref<1x32x1024xf32, #tpu.memory_space<vmem>> -> memref<32x1024xf32, #tpu.memory_space<vmem>>
        tpu.wait_dma2 semaphore(%arg12 : memref<!tpu.dma_semaphore, #tpu.memory_space<semaphore_mem>>) src(%dma_wait3A_175 : memref<32x1024xf32, #tpu.memory_space<vmem>>) dst(%dma_wait3A_171 : memref<32x1024xf32, #tpu.memory_space<hbm>>)
        %add3A_176 = arith.constant 2 : i32
        %add3A_177 = arith.addi %add3A_158, %add3A_176 : i32
        %lt3A = arith.constant 64 : i32
        %lt3A_178 = arith.cmpi slt, %add3A_177, %lt3A : i32
        %convert_element_type3A_179 = arith.extui %lt3A_178 : i1 to i32
        %cond3A_180 = arith.constant 0 : i32
        %cond3A_181 = arith.cmpi ne, %convert_element_type3A_179, %cond3A_180 : i32
        scf.if %cond3A_181 {
          %mul3A_210 = arith.constant 32 : i32
          %mul3A_211 = arith.muli %add3A_177, %mul3A_210 : i32
          %add3A_212 = arith.constant 1653 : i32
          %add3A_213 = arith.addi %add3A_212, %mul3A_211 : i32
          %dma_start3A_214 = arith.constant 0 : i32
          %dma_start3A_215 = arith.constant 0 : i32
          %dma_start3A_216 = arith.constant 0 : i32
          %dma_start3A_217 = tpu.memref_slice %arg8[%dma_start3A_214, %dma_start3A_215, %dma_start3A_216] : memref<2x32x1024xf32, #tpu.memory_space<vmem>> -> memref<1x32x1024xf32, #tpu.memory_space<vmem>>
          %dma_start3A_218 = tpu.memref_squeeze %dma_start3A_217 : memref<1x32x1024xf32, #tpu.memory_space<vmem>> -> memref<32x1024xf32, #tpu.memory_space<vmem>>
          %dma_start3A_219 = arith.constant 0 : i32
          %dma_start3A_220 = tpu.memref_slice %arg2[%arg1, %add3A_213, %dma_start3A_219] : memref<16x4096x1024xf32, #tpu.memory_space<hbm>> -> memref<1x32x1024xf32, #tpu.memory_space<hbm>>
          %dma_start3A_221 = tpu.memref_squeeze %dma_start3A_220 : memref<1x32x1024xf32, #tpu.memory_space<hbm>> -> memref<32x1024xf32, #tpu.memory_space<hbm>>
          %dma_start3A_222 = arith.constant 0 : i32
          %dma_start3A_223 = arith.constant 0 : i32
          %dma_start3A_224 = tpu.memref_slice %arg8[%dma_start3A_214, %dma_start3A_222, %dma_start3A_223] : memref<2x32x1024xf32, #tpu.memory_space<vmem>> -> memref<1x32x1024xf32, #tpu.memory_space<vmem>>
          %dma_start3A_225 = tpu.memref_squeeze %dma_start3A_224 : memref<1x32x1024xf32, #tpu.memory_space<vmem>> -> memref<32x1024xf32, #tpu.memory_space<vmem>>
          %dma_start3A_226 = arith.constant 0 : i32
          %dma_start3A_227 = tpu.memref_slice %arg2[%arg1, %add3A_213, %dma_start3A_226] : memref<16x4096x1024xf32, #tpu.memory_space<hbm>> -> memref<1x32x1024xf32, #tpu.memory_space<hbm>>
          %dma_start3A_228 = tpu.memref_squeeze %dma_start3A_227 : memref<1x32x1024xf32, #tpu.memory_space<hbm>> -> memref<32x1024xf32, #tpu.memory_space<hbm>>
          tpu.enqueue_dma source(%dma_start3A_228 : memref<32x1024xf32, #tpu.memory_space<hbm>>) target(%dma_start3A_225 : memref<32x1024xf32, #tpu.memory_space<vmem>>) target_semaphore(%arg10 : memref<!tpu.dma_semaphore, #tpu.memory_space<semaphore_mem>>)
        } else {
        }
        %mul3A_182 = arith.constant 2 : i32
        %mul3A_183 = arith.muli %mul3A_182, %scan3A_76 : i32
        %add3A_184 = arith.constant 1 : i32
        %add3A_185 = arith.addi %mul3A_183, %add3A_184 : i32
        %mul3A_186 = arith.constant 32 : i32
        %mul3A_187 = arith.muli %add3A_185, %mul3A_186 : i32
        %dma_wait3A_188 = arith.constant 1 : i32
        %dma_wait3A_189 = arith.constant 0 : i32
        %dma_wait3A_190 = arith.constant 0 : i32
        %dma_wait3A_191 = tpu.memref_slice %arg8[%dma_wait3A_188, %dma_wait3A_189, %dma_wait3A_190] : memref<2x32x1024xf32, #tpu.memory_space<vmem>> -> memref<1x32x1024xf32, #tpu.memory_space<vmem>>
        %dma_wait3A_192 = tpu.memref_squeeze %dma_wait3A_191 : memref<1x32x1024xf32, #tpu.memory_space<vmem>> -> memref<32x1024xf32, #tpu.memory_space<vmem>>
        %dma_wait3A_193 = arith.constant 0 : i32
        %dma_wait3A_194 = tpu.memref_slice %arg5[%arg1, %mul3A_187, %dma_wait3A_193] : memref<16x2048x1024xf32, #tpu.memory_space<hbm>> -> memref<1x32x1024xf32, #tpu.memory_space<hbm>>
        %dma_wait3A_195 = tpu.memref_squeeze %dma_wait3A_194 : memref<1x32x1024xf32, #tpu.memory_space<hbm>> -> memref<32x1024xf32, #tpu.memory_space<hbm>>
        %dma_wait3A_196 = arith.constant 0 : i32
        %dma_wait3A_197 = tpu.memref_slice %arg5[%arg1, %mul3A_187, %dma_wait3A_196] : memref<16x2048x1024xf32, #tpu.memory_space<hbm>> -> memref<1x32x1024xf32, #tpu.memory_space<hbm>>
        %dma_wait3A_198 = tpu.memref_squeeze %dma_wait3A_197 : memref<1x32x1024xf32, #tpu.memory_space<hbm>> -> memref<32x1024xf32, #tpu.memory_space<hbm>>
        %dma_wait3A_199 = arith.constant 0 : i32
        %dma_wait3A_200 = arith.constant 0 : i32
        %dma_wait3A_201 = tpu.memref_slice %arg8[%dma_wait3A_188, %dma_wait3A_199, %dma_wait3A_200] : memref<2x32x1024xf32, #tpu.memory_space<vmem>> -> memref<1x32x1024xf32, #tpu.memory_space<vmem>>
        %dma_wait3A_202 = tpu.memref_squeeze %dma_wait3A_201 : memref<1x32x1024xf32, #tpu.memory_space<vmem>> -> memref<32x1024xf32, #tpu.memory_space<vmem>>
        tpu.wait_dma2 semaphore(%arg13 : memref<!tpu.dma_semaphore, #tpu.memory_space<semaphore_mem>>) src(%dma_wait3A_202 : memref<32x1024xf32, #tpu.memory_space<vmem>>) dst(%dma_wait3A_198 : memref<32x1024xf32, #tpu.memory_space<hbm>>)
        %add3A_203 = arith.constant 2 : i32
        %add3A_204 = arith.addi %add3A_185, %add3A_203 : i32
        %lt3A_205 = arith.constant 64 : i32
        %lt3A_206 = arith.cmpi slt, %add3A_204, %lt3A_205 : i32
        %convert_element_type3A_207 = arith.extui %lt3A_206 : i1 to i32
        %cond3A_208 = arith.constant 0 : i32
        %cond3A_209 = arith.cmpi ne, %convert_element_type3A_207, %cond3A_208 : i32
        scf.if %cond3A_209 {
          %mul3A_210 = arith.constant 32 : i32
          %mul3A_211 = arith.muli %add3A_204, %mul3A_210 : i32
          %add3A_212 = arith.constant 1653 : i32
          %add3A_213 = arith.addi %add3A_212, %mul3A_211 : i32
          %dma_start3A_214 = arith.constant 1 : i32
          %dma_start3A_215 = arith.constant 0 : i32
          %dma_start3A_216 = arith.constant 0 : i32
          %dma_start3A_217 = tpu.memref_slice %arg8[%dma_start3A_214, %dma_start3A_215, %dma_start3A_216] : memref<2x32x1024xf32, #tpu.memory_space<vmem>> -> memref<1x32x1024xf32, #tpu.memory_space<vmem>>
          %dma_start3A_218 = tpu.memref_squeeze %dma_start3A_217 : memref<1x32x1024xf32, #tpu.memory_space<vmem>> -> memref<32x1024xf32, #tpu.memory_space<vmem>>
          %dma_start3A_219 = arith.constant 0 : i32
          %dma_start3A_220 = tpu.memref_slice %arg2[%arg1, %add3A_213, %dma_start3A_219] : memref<16x4096x1024xf32, #tpu.memory_space<hbm>> -> memref<1x32x1024xf32, #tpu.memory_space<hbm>>
          %dma_start3A_221 = tpu.memref_squeeze %dma_start3A_220 : memref<1x32x1024xf32, #tpu.memory_space<hbm>> -> memref<32x1024xf32, #tpu.memory_space<hbm>>
          %dma_start3A_222 = arith.constant 0 : i32
          %dma_start3A_223 = arith.constant 0 : i32
          %dma_start3A_224 = tpu.memref_slice %arg8[%dma_start3A_214, %dma_start3A_222, %dma_start3A_223] : memref<2x32x1024xf32, #tpu.memory_space<vmem>> -> memref<1x32x1024xf32, #tpu.memory_space<vmem>>
          %dma_start3A_225 = tpu.memref_squeeze %dma_start3A_224 : memref<1x32x1024xf32, #tpu.memory_space<vmem>> -> memref<32x1024xf32, #tpu.memory_space<vmem>>
          %dma_start3A_226 = arith.constant 0 : i32
          %dma_start3A_227 = tpu.memref_slice %arg2[%arg1, %add3A_213, %dma_start3A_226] : memref<16x4096x1024xf32, #tpu.memory_space<hbm>> -> memref<1x32x1024xf32, #tpu.memory_space<hbm>>
          %dma_start3A_228 = tpu.memref_squeeze %dma_start3A_227 : memref<1x32x1024xf32, #tpu.memory_space<hbm>> -> memref<32x1024xf32, #tpu.memory_space<hbm>>
          tpu.enqueue_dma source(%dma_start3A_228 : memref<32x1024xf32, #tpu.memory_space<hbm>>) target(%dma_start3A_225 : memref<32x1024xf32, #tpu.memory_space<vmem>>) target_semaphore(%arg11 : memref<!tpu.dma_semaphore, #tpu.memory_space<semaphore_mem>>)
        } else {
        }
      }
      %scan3A_44 = arith.constant 32 : i32
      %dma_start3A_45 = arith.constant 1653 : i32
      %dma_start3A_46 = arith.constant 0 : i32
      %dma_start3A_47 = tpu.memref_slice %arg4[%arg1, %dma_start3A_45, %dma_start3A_46] : memref<16x4096x3xf32, #tpu.memory_space<hbm>> -> memref<1x2048x3xf32, #tpu.memory_space<hbm>>
      %dma_start3A_48 = tpu.memref_squeeze %dma_start3A_47 : memref<1x2048x3xf32, #tpu.memory_space<hbm>> -> memref<2048x3xf32, #tpu.memory_space<hbm>>
      %dma_start3A_49 = arith.constant 1653 : i32
      %dma_start3A_50 = arith.constant 0 : i32
      %dma_start3A_51 = tpu.memref_slice %arg4[%arg1, %dma_start3A_49, %dma_start3A_50] : memref<16x4096x3xf32, #tpu.memory_space<hbm>> -> memref<1x2048x3xf32, #tpu.memory_space<hbm>>
      %dma_start3A_52 = tpu.memref_squeeze %dma_start3A_51 : memref<1x2048x3xf32, #tpu.memory_space<hbm>> -> memref<2048x3xf32, #tpu.memory_space<hbm>>
      tpu.enqueue_dma source(%dma_start3A_52 : memref<2048x3xf32, #tpu.memory_space<hbm>>) target(%arg9 : memref<2048x3xf32, #tpu.memory_space<vmem>>) target_semaphore(%arg10 : memref<!tpu.dma_semaphore, #tpu.memory_space<semaphore_mem>>)
      %dma_wait3A = arith.constant 1653 : i32
      %dma_wait3A_53 = arith.constant 0 : i32
      %dma_wait3A_54 = tpu.memref_slice %arg4[%arg1, %dma_wait3A, %dma_wait3A_53] : memref<16x4096x3xf32, #tpu.memory_space<hbm>> -> memref<1x2048x3xf32, #tpu.memory_space<hbm>>
      %dma_wait3A_55 = tpu.memref_squeeze %dma_wait3A_54 : memref<1x2048x3xf32, #tpu.memory_space<hbm>> -> memref<2048x3xf32, #tpu.memory_space<hbm>>
      %dma_wait3A_56 = arith.constant 1653 : i32
      %dma_wait3A_57 = arith.constant 0 : i32
      %dma_wait3A_58 = tpu.memref_slice %arg4[%arg1, %dma_wait3A_56, %dma_wait3A_57] : memref<16x4096x3xf32, #tpu.memory_space<hbm>> -> memref<1x2048x3xf32, #tpu.memory_space<hbm>>
      %dma_wait3A_59 = tpu.memref_squeeze %dma_wait3A_58 : memref<1x2048x3xf32, #tpu.memory_space<hbm>> -> memref<2048x3xf32, #tpu.memory_space<hbm>>
      tpu.wait_dma2 semaphore(%arg10 : memref<!tpu.dma_semaphore, #tpu.memory_space<semaphore_mem>>) src(%dma_wait3A_59 : memref<2048x3xf32, #tpu.memory_space<hbm>>) dst(%arg9 : memref<2048x3xf32, #tpu.memory_space<vmem>>)
      %dma_start3A_60 = arith.constant 0 : i32
      %dma_start3A_61 = arith.constant 0 : i32
      %dma_start3A_62 = tpu.memref_slice %arg7[%arg1, %dma_start3A_60, %dma_start3A_61] : memref<16x2048x3xf32, #tpu.memory_space<hbm>> -> memref<1x2048x3xf32, #tpu.memory_space<hbm>>
      %dma_start3A_63 = tpu.memref_squeeze %dma_start3A_62 : memref<1x2048x3xf32, #tpu.memory_space<hbm>> -> memref<2048x3xf32, #tpu.memory_space<hbm>>
      %dma_start3A_64 = arith.constant 0 : i32
      %dma_start3A_65 = arith.constant 0 : i32
      %dma_start3A_66 = tpu.memref_slice %arg7[%arg1, %dma_start3A_64, %dma_start3A_65] : memref<16x2048x3xf32, #tpu.memory_space<hbm>> -> memref<1x2048x3xf32, #tpu.memory_space<hbm>>
      %dma_start3A_67 = tpu.memref_squeeze %dma_start3A_66 : memref<1x2048x3xf32, #tpu.memory_space<hbm>> -> memref<2048x3xf32, #tpu.memory_space<hbm>>
      tpu.enqueue_dma source(%arg9 : memref<2048x3xf32, #tpu.memory_space<vmem>>) target(%dma_start3A_67 : memref<2048x3xf32, #tpu.memory_space<hbm>>) target_semaphore(%arg12 : memref<!tpu.dma_semaphore, #tpu.memory_space<semaphore_mem>>)
      %dma_wait3A_68 = arith.constant 0 : i32
      %dma_wait3A_69 = arith.constant 0 : i32
      %dma_wait3A_70 = tpu.memref_slice %arg7[%arg1, %dma_wait3A_68, %dma_wait3A_69] : memref<16x2048x3xf32, #tpu.memory_space<hbm>> -> memref<1x2048x3xf32, #tpu.memory_space<hbm>>
      %dma_wait3A_71 = tpu.memref_squeeze %dma_wait3A_70 : memref<1x2048x3xf32, #tpu.memory_space<hbm>> -> memref<2048x3xf32, #tpu.memory_space<hbm>>
      %dma_wait3A_72 = arith.constant 0 : i32
      %dma_wait3A_73 = arith.constant 0 : i32
      %dma_wait3A_74 = tpu.memref_slice %arg7[%arg1, %dma_wait3A_72, %dma_wait3A_73] : memref<16x2048x3xf32, #tpu.memory_space<hbm>> -> memref<1x2048x3xf32, #tpu.memory_space<hbm>>
      %dma_wait3A_75 = tpu.memref_squeeze %dma_wait3A_74 : memref<1x2048x3xf32, #tpu.memory_space<hbm>> -> memref<2048x3xf32, #tpu.memory_space<hbm>>
      tpu.wait_dma2 semaphore(%arg12 : memref<!tpu.dma_semaphore, #tpu.memory_space<semaphore_mem>>) src(%arg9 : memref<2048x3xf32, #tpu.memory_space<vmem>>) dst(%dma_wait3A_75 : memref<2048x3xf32, #tpu.memory_space<hbm>>)
    } else {
    }
    %eq3A_2 = arith.constant 1 : i32
    %eq3A_3 = arith.cmpi eq, %arg0, %eq3A_2 : i32
    %convert_element_type3A_4 = arith.extui %eq3A_3 : i1 to i32
    %cond3A_5 = arith.constant 0 : i32
    %cond3A_6 = arith.cmpi ne, %convert_element_type3A_4, %cond3A_5 : i32
    scf.if %cond3A_6 {
      %dma_start3A = arith.constant 0 : i32
      %dma_start3A_7 = arith.constant 0 : i32
      %dma_start3A_8 = arith.constant 0 : i32
      %dma_start3A_9 = tpu.memref_slice %arg8[%dma_start3A, %dma_start3A_7, %dma_start3A_8] : memref<2x32x1024xf32, #tpu.memory_space<vmem>> -> memref<1x32x1024xf32, #tpu.memory_space<vmem>>
      %dma_start3A_10 = tpu.memref_squeeze %dma_start3A_9 : memref<1x32x1024xf32, #tpu.memory_space<vmem>> -> memref<32x1024xf32, #tpu.memory_space<vmem>>
      %dma_start3A_11 = arith.constant 1653 : i32
      %dma_start3A_12 = arith.constant 0 : i32
      %dma_start3A_13 = tpu.memref_slice %arg3[%arg1, %dma_start3A_11, %dma_start3A_12] : memref<16x4096x1024xf32, #tpu.memory_space<hbm>> -> memref<1x32x1024xf32, #tpu.memory_space<hbm>>
      %dma_start3A_14 = tpu.memref_squeeze %dma_start3A_13 : memref<1x32x1024xf32, #tpu.memory_space<hbm>> -> memref<32x1024xf32, #tpu.memory_space<hbm>>
      %dma_start3A_15 = arith.constant 0 : i32
      %dma_start3A_16 = arith.constant 0 : i32
      %dma_start3A_17 = tpu.memref_slice %arg8[%dma_start3A, %dma_start3A_15, %dma_start3A_16] : memref<2x32x1024xf32, #tpu.memory_space<vmem>> -> memref<1x32x1024xf32, #tpu.memory_space<vmem>>
      %dma_start3A_18 = tpu.memref_squeeze %dma_start3A_17 : memref<1x32x1024xf32, #tpu.memory_space<vmem>> -> memref<32x1024xf32, #tpu.memory_space<vmem>>
      %dma_start3A_19 = arith.constant 1653 : i32
      %dma_start3A_20 = arith.constant 0 : i32
      %dma_start3A_21 = tpu.memref_slice %arg3[%arg1, %dma_start3A_19, %dma_start3A_20] : memref<16x4096x1024xf32, #tpu.memory_space<hbm>> -> memref<1x32x1024xf32, #tpu.memory_space<hbm>>
      %dma_start3A_22 = tpu.memref_squeeze %dma_start3A_21 : memref<1x32x1024xf32, #tpu.memory_space<hbm>> -> memref<32x1024xf32, #tpu.memory_space<hbm>>
      tpu.enqueue_dma source(%dma_start3A_22 : memref<32x1024xf32, #tpu.memory_space<hbm>>) target(%dma_start3A_18 : memref<32x1024xf32, #tpu.memory_space<vmem>>) target_semaphore(%arg10 : memref<!tpu.dma_semaphore, #tpu.memory_space<semaphore_mem>>)
      %dma_start3A_23 = arith.constant 1 : i32
      %dma_start3A_24 = arith.constant 0 : i32
      %dma_start3A_25 = arith.constant 0 : i32
      %dma_start3A_26 = tpu.memref_slice %arg8[%dma_start3A_23, %dma_start3A_24, %dma_start3A_25] : memref<2x32x1024xf32, #tpu.memory_space<vmem>> -> memref<1x32x1024xf32, #tpu.memory_space<vmem>>
      %dma_start3A_27 = tpu.memref_squeeze %dma_start3A_26 : memref<1x32x1024xf32, #tpu.memory_space<vmem>> -> memref<32x1024xf32, #tpu.memory_space<vmem>>
      %dma_start3A_28 = arith.constant 1685 : i32
      %dma_start3A_29 = arith.constant 0 : i32
      %dma_start3A_30 = tpu.memref_slice %arg3[%arg1, %dma_start3A_28, %dma_start3A_29] : memref<16x4096x1024xf32, #tpu.memory_space<hbm>> -> memref<1x32x1024xf32, #tpu.memory_space<hbm>>
      %dma_start3A_31 = tpu.memref_squeeze %dma_start3A_30 : memref<1x32x1024xf32, #tpu.memory_space<hbm>> -> memref<32x1024xf32, #tpu.memory_space<hbm>>
      %dma_start3A_32 = arith.constant 0 : i32
      %dma_start3A_33 = arith.constant 0 : i32
      %dma_start3A_34 = tpu.memref_slice %arg8[%dma_start3A_23, %dma_start3A_32, %dma_start3A_33] : memref<2x32x1024xf32, #tpu.memory_space<vmem>> -> memref<1x32x1024xf32, #tpu.memory_space<vmem>>
      %dma_start3A_35 = tpu.memref_squeeze %dma_start3A_34 : memref<1x32x1024xf32, #tpu.memory_space<vmem>> -> memref<32x1024xf32, #tpu.memory_space<vmem>>
      %dma_start3A_36 = arith.constant 1685 : i32
      %dma_start3A_37 = arith.constant 0 : i32
      %dma_start3A_38 = tpu.memref_slice %arg3[%arg1, %dma_start3A_36, %dma_start3A_37] : memref<16x4096x1024xf32, #tpu.memory_space<hbm>> -> memref<1x32x1024xf32, #tpu.memory_space<hbm>>
      %dma_start3A_39 = tpu.memref_squeeze %dma_start3A_38 : memref<1x32x1024xf32, #tpu.memory_space<hbm>> -> memref<32x1024xf32, #tpu.memory_space<hbm>>
      tpu.enqueue_dma source(%dma_start3A_39 : memref<32x1024xf32, #tpu.memory_space<hbm>>) target(%dma_start3A_35 : memref<32x1024xf32, #tpu.memory_space<vmem>>) target_semaphore(%arg11 : memref<!tpu.dma_semaphore, #tpu.memory_space<semaphore_mem>>)
      %scan3A = arith.constant 0 : i32
      %scan3A_40 = arith.constant 0 : i32
      %scan3A_41 = arith.constant 32 : i32
      %scan3A_42 = arith.addi %scan3A_40, %scan3A_41 : i32
      %scan3A_43 = arith.constant 1 : i32
      scf.for %scan3A_45 = %scan3A_40 to %scan3A_42 step %scan3A_43  : i32 {
        %mul3A = arith.constant 2 : i32
        %mul3A_46 = arith.muli %mul3A, %scan3A_45 : i32
        %add3A = arith.constant 0 : i32
        %add3A_47 = arith.addi %mul3A_46, %add3A : i32
        %mul3A_48 = arith.constant 32 : i32
        %mul3A_49 = arith.muli %add3A_47, %mul3A_48 : i32
        %add3A_50 = arith.constant 1653 : i32
        %add3A_51 = arith.addi %add3A_50, %mul3A_49 : i32
        %dma_wait3A = arith.constant 0 : i32
        %dma_wait3A_52 = arith.constant 0 : i32
        %dma_wait3A_53 = arith.constant 0 : i32
        %dma_wait3A_54 = tpu.memref_slice %arg8[%dma_wait3A, %dma_wait3A_52, %dma_wait3A_53] : memref<2x32x1024xf32, #tpu.memory_space<vmem>> -> memref<1x32x1024xf32, #tpu.memory_space<vmem>>
        %dma_wait3A_55 = tpu.memref_squeeze %dma_wait3A_54 : memref<1x32x1024xf32, #tpu.memory_space<vmem>> -> memref<32x1024xf32, #tpu.memory_space<vmem>>
        %dma_wait3A_56 = arith.constant 0 : i32
        %dma_wait3A_57 = tpu.memref_slice %arg3[%arg1, %add3A_51, %dma_wait3A_56] : memref<16x4096x1024xf32, #tpu.memory_space<hbm>> -> memref<1x32x1024xf32, #tpu.memory_space<hbm>>
        %dma_wait3A_58 = tpu.memref_squeeze %dma_wait3A_57 : memref<1x32x1024xf32, #tpu.memory_space<hbm>> -> memref<32x1024xf32, #tpu.memory_space<hbm>>
        %dma_wait3A_59 = arith.constant 0 : i32
        %dma_wait3A_60 = arith.constant 0 : i32
        %dma_wait3A_61 = tpu.memref_slice %arg8[%dma_wait3A, %dma_wait3A_59, %dma_wait3A_60] : memref<2x32x1024xf32, #tpu.memory_space<vmem>> -> memref<1x32x1024xf32, #tpu.memory_space<vmem>>
        %dma_wait3A_62 = tpu.memref_squeeze %dma_wait3A_61 : memref<1x32x1024xf32, #tpu.memory_space<vmem>> -> memref<32x1024xf32, #tpu.memory_space<vmem>>
        %dma_wait3A_63 = arith.constant 0 : i32
        %dma_wait3A_64 = tpu.memref_slice %arg3[%arg1, %add3A_51, %dma_wait3A_63] : memref<16x4096x1024xf32, #tpu.memory_space<hbm>> -> memref<1x32x1024xf32, #tpu.memory_space<hbm>>
        %dma_wait3A_65 = tpu.memref_squeeze %dma_wait3A_64 : memref<1x32x1024xf32, #tpu.memory_space<hbm>> -> memref<32x1024xf32, #tpu.memory_space<hbm>>
        tpu.wait_dma2 semaphore(%arg10 : memref<!tpu.dma_semaphore, #tpu.memory_space<semaphore_mem>>) src(%dma_wait3A_65 : memref<32x1024xf32, #tpu.memory_space<hbm>>) dst(%dma_wait3A_62 : memref<32x1024xf32, #tpu.memory_space<vmem>>)
        %mul3A_66 = arith.constant 32 : i32
        %mul3A_67 = arith.muli %add3A_47, %mul3A_66 : i32
        %dma_start3A_68 = arith.constant 0 : i32
        %dma_start3A_69 = arith.constant 0 : i32
        %dma_start3A_70 = arith.constant 0 : i32
        %dma_start3A_71 = tpu.memref_slice %arg8[%dma_start3A_68, %dma_start3A_69, %dma_start3A_70] : memref<2x32x1024xf32, #tpu.memory_space<vmem>> -> memref<1x32x1024xf32, #tpu.memory_space<vmem>>
        %dma_start3A_72 = tpu.memref_squeeze %dma_start3A_71 : memref<1x32x1024xf32, #tpu.memory_space<vmem>> -> memref<32x1024xf32, #tpu.memory_space<vmem>>
        %dma_start3A_73 = arith.constant 0 : i32
        %dma_start3A_74 = tpu.memref_slice %arg6[%arg1, %mul3A_67, %dma_start3A_73] : memref<16x2048x1024xf32, #tpu.memory_space<hbm>> -> memref<1x32x1024xf32, #tpu.memory_space<hbm>>
        %dma_start3A_75 = tpu.memref_squeeze %dma_start3A_74 : memref<1x32x1024xf32, #tpu.memory_space<hbm>> -> memref<32x1024xf32, #tpu.memory_space<hbm>>
        %dma_start3A_76 = arith.constant 0 : i32
        %dma_start3A_77 = tpu.memref_slice %arg6[%arg1, %mul3A_67, %dma_start3A_76] : memref<16x2048x1024xf32, #tpu.memory_space<hbm>> -> memref<1x32x1024xf32, #tpu.memory_space<hbm>>
        %dma_start3A_78 = tpu.memref_squeeze %dma_start3A_77 : memref<1x32x1024xf32, #tpu.memory_space<hbm>> -> memref<32x1024xf32, #tpu.memory_space<hbm>>
        %dma_start3A_79 = arith.constant 0 : i32
        %dma_start3A_80 = arith.constant 0 : i32
        %dma_start3A_81 = tpu.memref_slice %arg8[%dma_start3A_68, %dma_start3A_79, %dma_start3A_80] : memref<2x32x1024xf32, #tpu.memory_space<vmem>> -> memref<1x32x1024xf32, #tpu.memory_space<vmem>>
        %dma_start3A_82 = tpu.memref_squeeze %dma_start3A_81 : memref<1x32x1024xf32, #tpu.memory_space<vmem>> -> memref<32x1024xf32, #tpu.memory_space<vmem>>
        tpu.enqueue_dma source(%dma_start3A_82 : memref<32x1024xf32, #tpu.memory_space<vmem>>) target(%dma_start3A_78 : memref<32x1024xf32, #tpu.memory_space<hbm>>) target_semaphore(%arg12 : memref<!tpu.dma_semaphore, #tpu.memory_space<semaphore_mem>>)
        %mul3A_83 = arith.constant 2 : i32
        %mul3A_84 = arith.muli %mul3A_83, %scan3A_45 : i32
        %add3A_85 = arith.constant 1 : i32
        %add3A_86 = arith.addi %mul3A_84, %add3A_85 : i32
        %mul3A_87 = arith.constant 32 : i32
        %mul3A_88 = arith.muli %add3A_86, %mul3A_87 : i32
        %add3A_89 = arith.constant 1653 : i32
        %add3A_90 = arith.addi %add3A_89, %mul3A_88 : i32
        %dma_wait3A_91 = arith.constant 1 : i32
        %dma_wait3A_92 = arith.constant 0 : i32
        %dma_wait3A_93 = arith.constant 0 : i32
        %dma_wait3A_94 = tpu.memref_slice %arg8[%dma_wait3A_91, %dma_wait3A_92, %dma_wait3A_93] : memref<2x32x1024xf32, #tpu.memory_space<vmem>> -> memref<1x32x1024xf32, #tpu.memory_space<vmem>>
        %dma_wait3A_95 = tpu.memref_squeeze %dma_wait3A_94 : memref<1x32x1024xf32, #tpu.memory_space<vmem>> -> memref<32x1024xf32, #tpu.memory_space<vmem>>
        %dma_wait3A_96 = arith.constant 0 : i32
        %dma_wait3A_97 = tpu.memref_slice %arg3[%arg1, %add3A_90, %dma_wait3A_96] : memref<16x4096x1024xf32, #tpu.memory_space<hbm>> -> memref<1x32x1024xf32, #tpu.memory_space<hbm>>
        %dma_wait3A_98 = tpu.memref_squeeze %dma_wait3A_97 : memref<1x32x1024xf32, #tpu.memory_space<hbm>> -> memref<32x1024xf32, #tpu.memory_space<hbm>>
        %dma_wait3A_99 = arith.constant 0 : i32
        %dma_wait3A_100 = arith.constant 0 : i32
        %dma_wait3A_101 = tpu.memref_slice %arg8[%dma_wait3A_91, %dma_wait3A_99, %dma_wait3A_100] : memref<2x32x1024xf32, #tpu.memory_space<vmem>> -> memref<1x32x1024xf32, #tpu.memory_space<vmem>>
        %dma_wait3A_102 = tpu.memref_squeeze %dma_wait3A_101 : memref<1x32x1024xf32, #tpu.memory_space<vmem>> -> memref<32x1024xf32, #tpu.memory_space<vmem>>
        %dma_wait3A_103 = arith.constant 0 : i32
        %dma_wait3A_104 = tpu.memref_slice %arg3[%arg1, %add3A_90, %dma_wait3A_103] : memref<16x4096x1024xf32, #tpu.memory_space<hbm>> -> memref<1x32x1024xf32, #tpu.memory_space<hbm>>
        %dma_wait3A_105 = tpu.memref_squeeze %dma_wait3A_104 : memref<1x32x1024xf32, #tpu.memory_space<hbm>> -> memref<32x1024xf32, #tpu.memory_space<hbm>>
        tpu.wait_dma2 semaphore(%arg11 : memref<!tpu.dma_semaphore, #tpu.memory_space<semaphore_mem>>) src(%dma_wait3A_105 : memref<32x1024xf32, #tpu.memory_space<hbm>>) dst(%dma_wait3A_102 : memref<32x1024xf32, #tpu.memory_space<vmem>>)
        %mul3A_106 = arith.constant 32 : i32
        %mul3A_107 = arith.muli %add3A_86, %mul3A_106 : i32
        %dma_start3A_108 = arith.constant 1 : i32
        %dma_start3A_109 = arith.constant 0 : i32
        %dma_start3A_110 = arith.constant 0 : i32
        %dma_start3A_111 = tpu.memref_slice %arg8[%dma_start3A_108, %dma_start3A_109, %dma_start3A_110] : memref<2x32x1024xf32, #tpu.memory_space<vmem>> -> memref<1x32x1024xf32, #tpu.memory_space<vmem>>
        %dma_start3A_112 = tpu.memref_squeeze %dma_start3A_111 : memref<1x32x1024xf32, #tpu.memory_space<vmem>> -> memref<32x1024xf32, #tpu.memory_space<vmem>>
        %dma_start3A_113 = arith.constant 0 : i32
        %dma_start3A_114 = tpu.memref_slice %arg6[%arg1, %mul3A_107, %dma_start3A_113] : memref<16x2048x1024xf32, #tpu.memory_space<hbm>> -> memref<1x32x1024xf32, #tpu.memory_space<hbm>>
        %dma_start3A_115 = tpu.memref_squeeze %dma_start3A_114 : memref<1x32x1024xf32, #tpu.memory_space<hbm>> -> memref<32x1024xf32, #tpu.memory_space<hbm>>
        %dma_start3A_116 = arith.constant 0 : i32
        %dma_start3A_117 = tpu.memref_slice %arg6[%arg1, %mul3A_107, %dma_start3A_116] : memref<16x2048x1024xf32, #tpu.memory_space<hbm>> -> memref<1x32x1024xf32, #tpu.memory_space<hbm>>
        %dma_start3A_118 = tpu.memref_squeeze %dma_start3A_117 : memref<1x32x1024xf32, #tpu.memory_space<hbm>> -> memref<32x1024xf32, #tpu.memory_space<hbm>>
        %dma_start3A_119 = arith.constant 0 : i32
        %dma_start3A_120 = arith.constant 0 : i32
        %dma_start3A_121 = tpu.memref_slice %arg8[%dma_start3A_108, %dma_start3A_119, %dma_start3A_120] : memref<2x32x1024xf32, #tpu.memory_space<vmem>> -> memref<1x32x1024xf32, #tpu.memory_space<vmem>>
        %dma_start3A_122 = tpu.memref_squeeze %dma_start3A_121 : memref<1x32x1024xf32, #tpu.memory_space<vmem>> -> memref<32x1024xf32, #tpu.memory_space<vmem>>
        tpu.enqueue_dma source(%dma_start3A_122 : memref<32x1024xf32, #tpu.memory_space<vmem>>) target(%dma_start3A_118 : memref<32x1024xf32, #tpu.memory_space<hbm>>) target_semaphore(%arg13 : memref<!tpu.dma_semaphore, #tpu.memory_space<semaphore_mem>>)
        %mul3A_123 = arith.constant 2 : i32
        %mul3A_124 = arith.muli %mul3A_123, %scan3A_45 : i32
        %add3A_125 = arith.constant 0 : i32
        %add3A_126 = arith.addi %mul3A_124, %add3A_125 : i32
        %mul3A_127 = arith.constant 32 : i32
        %mul3A_128 = arith.muli %add3A_126, %mul3A_127 : i32
        %dma_wait3A_129 = arith.constant 0 : i32
        %dma_wait3A_130 = arith.constant 0 : i32
        %dma_wait3A_131 = arith.constant 0 : i32
        %dma_wait3A_132 = tpu.memref_slice %arg8[%dma_wait3A_129, %dma_wait3A_130, %dma_wait3A_131] : memref<2x32x1024xf32, #tpu.memory_space<vmem>> -> memref<1x32x1024xf32, #tpu.memory_space<vmem>>
        %dma_wait3A_133 = tpu.memref_squeeze %dma_wait3A_132 : memref<1x32x1024xf32, #tpu.memory_space<vmem>> -> memref<32x1024xf32, #tpu.memory_space<vmem>>
        %dma_wait3A_134 = arith.constant 0 : i32
        %dma_wait3A_135 = tpu.memref_slice %arg6[%arg1, %mul3A_128, %dma_wait3A_134] : memref<16x2048x1024xf32, #tpu.memory_space<hbm>> -> memref<1x32x1024xf32, #tpu.memory_space<hbm>>
        %dma_wait3A_136 = tpu.memref_squeeze %dma_wait3A_135 : memref<1x32x1024xf32, #tpu.memory_space<hbm>> -> memref<32x1024xf32, #tpu.memory_space<hbm>>
        %dma_wait3A_137 = arith.constant 0 : i32
        %dma_wait3A_138 = tpu.memref_slice %arg6[%arg1, %mul3A_128, %dma_wait3A_137] : memref<16x2048x1024xf32, #tpu.memory_space<hbm>> -> memref<1x32x1024xf32, #tpu.memory_space<hbm>>
        %dma_wait3A_139 = tpu.memref_squeeze %dma_wait3A_138 : memref<1x32x1024xf32, #tpu.memory_space<hbm>> -> memref<32x1024xf32, #tpu.memory_space<hbm>>
        %dma_wait3A_140 = arith.constant 0 : i32
        %dma_wait3A_141 = arith.constant 0 : i32
        %dma_wait3A_142 = tpu.memref_slice %arg8[%dma_wait3A_129, %dma_wait3A_140, %dma_wait3A_141] : memref<2x32x1024xf32, #tpu.memory_space<vmem>> -> memref<1x32x1024xf32, #tpu.memory_space<vmem>>
        %dma_wait3A_143 = tpu.memref_squeeze %dma_wait3A_142 : memref<1x32x1024xf32, #tpu.memory_space<vmem>> -> memref<32x1024xf32, #tpu.memory_space<vmem>>
        tpu.wait_dma2 semaphore(%arg12 : memref<!tpu.dma_semaphore, #tpu.memory_space<semaphore_mem>>) src(%dma_wait3A_143 : memref<32x1024xf32, #tpu.memory_space<vmem>>) dst(%dma_wait3A_139 : memref<32x1024xf32, #tpu.memory_space<hbm>>)
        %add3A_144 = arith.constant 2 : i32
        %add3A_145 = arith.addi %add3A_126, %add3A_144 : i32
        %lt3A = arith.constant 64 : i32
        %lt3A_146 = arith.cmpi slt, %add3A_145, %lt3A : i32
        %convert_element_type3A_147 = arith.extui %lt3A_146 : i1 to i32
        %cond3A_148 = arith.constant 0 : i32
        %cond3A_149 = arith.cmpi ne, %convert_element_type3A_147, %cond3A_148 : i32
        scf.if %cond3A_149 {
          %mul3A_178 = arith.constant 32 : i32
          %mul3A_179 = arith.muli %add3A_145, %mul3A_178 : i32
          %add3A_180 = arith.constant 1653 : i32
          %add3A_181 = arith.addi %add3A_180, %mul3A_179 : i32
          %dma_start3A_182 = arith.constant 0 : i32
          %dma_start3A_183 = arith.constant 0 : i32
          %dma_start3A_184 = arith.constant 0 : i32
          %dma_start3A_185 = tpu.memref_slice %arg8[%dma_start3A_182, %dma_start3A_183, %dma_start3A_184] : memref<2x32x1024xf32, #tpu.memory_space<vmem>> -> memref<1x32x1024xf32, #tpu.memory_space<vmem>>
          %dma_start3A_186 = tpu.memref_squeeze %dma_start3A_185 : memref<1x32x1024xf32, #tpu.memory_space<vmem>> -> memref<32x1024xf32, #tpu.memory_space<vmem>>
          %dma_start3A_187 = arith.constant 0 : i32
          %dma_start3A_188 = tpu.memref_slice %arg3[%arg1, %add3A_181, %dma_start3A_187] : memref<16x4096x1024xf32, #tpu.memory_space<hbm>> -> memref<1x32x1024xf32, #tpu.memory_space<hbm>>
          %dma_start3A_189 = tpu.memref_squeeze %dma_start3A_188 : memref<1x32x1024xf32, #tpu.memory_space<hbm>> -> memref<32x1024xf32, #tpu.memory_space<hbm>>
          %dma_start3A_190 = arith.constant 0 : i32
          %dma_start3A_191 = arith.constant 0 : i32
          %dma_start3A_192 = tpu.memref_slice %arg8[%dma_start3A_182, %dma_start3A_190, %dma_start3A_191] : memref<2x32x1024xf32, #tpu.memory_space<vmem>> -> memref<1x32x1024xf32, #tpu.memory_space<vmem>>
          %dma_start3A_193 = tpu.memref_squeeze %dma_start3A_192 : memref<1x32x1024xf32, #tpu.memory_space<vmem>> -> memref<32x1024xf32, #tpu.memory_space<vmem>>
          %dma_start3A_194 = arith.constant 0 : i32
          %dma_start3A_195 = tpu.memref_slice %arg3[%arg1, %add3A_181, %dma_start3A_194] : memref<16x4096x1024xf32, #tpu.memory_space<hbm>> -> memref<1x32x1024xf32, #tpu.memory_space<hbm>>
          %dma_start3A_196 = tpu.memref_squeeze %dma_start3A_195 : memref<1x32x1024xf32, #tpu.memory_space<hbm>> -> memref<32x1024xf32, #tpu.memory_space<hbm>>
          tpu.enqueue_dma source(%dma_start3A_196 : memref<32x1024xf32, #tpu.memory_space<hbm>>) target(%dma_start3A_193 : memref<32x1024xf32, #tpu.memory_space<vmem>>) target_semaphore(%arg10 : memref<!tpu.dma_semaphore, #tpu.memory_space<semaphore_mem>>)
        } else {
        }
        %mul3A_150 = arith.constant 2 : i32
        %mul3A_151 = arith.muli %mul3A_150, %scan3A_45 : i32
        %add3A_152 = arith.constant 1 : i32
        %add3A_153 = arith.addi %mul3A_151, %add3A_152 : i32
        %mul3A_154 = arith.constant 32 : i32
        %mul3A_155 = arith.muli %add3A_153, %mul3A_154 : i32
        %dma_wait3A_156 = arith.constant 1 : i32
        %dma_wait3A_157 = arith.constant 0 : i32
        %dma_wait3A_158 = arith.constant 0 : i32
        %dma_wait3A_159 = tpu.memref_slice %arg8[%dma_wait3A_156, %dma_wait3A_157, %dma_wait3A_158] : memref<2x32x1024xf32, #tpu.memory_space<vmem>> -> memref<1x32x1024xf32, #tpu.memory_space<vmem>>
        %dma_wait3A_160 = tpu.memref_squeeze %dma_wait3A_159 : memref<1x32x1024xf32, #tpu.memory_space<vmem>> -> memref<32x1024xf32, #tpu.memory_space<vmem>>
        %dma_wait3A_161 = arith.constant 0 : i32
        %dma_wait3A_162 = tpu.memref_slice %arg6[%arg1, %mul3A_155, %dma_wait3A_161] : memref<16x2048x1024xf32, #tpu.memory_space<hbm>> -> memref<1x32x1024xf32, #tpu.memory_space<hbm>>
        %dma_wait3A_163 = tpu.memref_squeeze %dma_wait3A_162 : memref<1x32x1024xf32, #tpu.memory_space<hbm>> -> memref<32x1024xf32, #tpu.memory_space<hbm>>
        %dma_wait3A_164 = arith.constant 0 : i32
        %dma_wait3A_165 = tpu.memref_slice %arg6[%arg1, %mul3A_155, %dma_wait3A_164] : memref<16x2048x1024xf32, #tpu.memory_space<hbm>> -> memref<1x32x1024xf32, #tpu.memory_space<hbm>>
        %dma_wait3A_166 = tpu.memref_squeeze %dma_wait3A_165 : memref<1x32x1024xf32, #tpu.memory_space<hbm>> -> memref<32x1024xf32, #tpu.memory_space<hbm>>
        %dma_wait3A_167 = arith.constant 0 : i32
        %dma_wait3A_168 = arith.constant 0 : i32
        %dma_wait3A_169 = tpu.memref_slice %arg8[%dma_wait3A_156, %dma_wait3A_167, %dma_wait3A_168] : memref<2x32x1024xf32, #tpu.memory_space<vmem>> -> memref<1x32x1024xf32, #tpu.memory_space<vmem>>
        %dma_wait3A_170 = tpu.memref_squeeze %dma_wait3A_169 : memref<1x32x1024xf32, #tpu.memory_space<vmem>> -> memref<32x1024xf32, #tpu.memory_space<vmem>>
        tpu.wait_dma2 semaphore(%arg13 : memref<!tpu.dma_semaphore, #tpu.memory_space<semaphore_mem>>) src(%dma_wait3A_170 : memref<32x1024xf32, #tpu.memory_space<vmem>>) dst(%dma_wait3A_166 : memref<32x1024xf32, #tpu.memory_space<hbm>>)
        %add3A_171 = arith.constant 2 : i32
        %add3A_172 = arith.addi %add3A_153, %add3A_171 : i32
        %lt3A_173 = arith.constant 64 : i32
        %lt3A_174 = arith.cmpi slt, %add3A_172, %lt3A_173 : i32
        %convert_element_type3A_175 = arith.extui %lt3A_174 : i1 to i32
        %cond3A_176 = arith.constant 0 : i32
        %cond3A_177 = arith.cmpi ne, %convert_element_type3A_175, %cond3A_176 : i32
        scf.if %cond3A_177 {
          %mul3A_178 = arith.constant 32 : i32
          %mul3A_179 = arith.muli %add3A_172, %mul3A_178 : i32
          %add3A_180 = arith.constant 1653 : i32
          %add3A_181 = arith.addi %add3A_180, %mul3A_179 : i32
          %dma_start3A_182 = arith.constant 1 : i32
          %dma_start3A_183 = arith.constant 0 : i32
          %dma_start3A_184 = arith.constant 0 : i32
          %dma_start3A_185 = tpu.memref_slice %arg8[%dma_start3A_182, %dma_start3A_183, %dma_start3A_184] : memref<2x32x1024xf32, #tpu.memory_space<vmem>> -> memref<1x32x1024xf32, #tpu.memory_space<vmem>>
          %dma_start3A_186 = tpu.memref_squeeze %dma_start3A_185 : memref<1x32x1024xf32, #tpu.memory_space<vmem>> -> memref<32x1024xf32, #tpu.memory_space<vmem>>
          %dma_start3A_187 = arith.constant 0 : i32
          %dma_start3A_188 = tpu.memref_slice %arg3[%arg1, %add3A_181, %dma_start3A_187] : memref<16x4096x1024xf32, #tpu.memory_space<hbm>> -> memref<1x32x1024xf32, #tpu.memory_space<hbm>>
          %dma_start3A_189 = tpu.memref_squeeze %dma_start3A_188 : memref<1x32x1024xf32, #tpu.memory_space<hbm>> -> memref<32x1024xf32, #tpu.memory_space<hbm>>
          %dma_start3A_190 = arith.constant 0 : i32
          %dma_start3A_191 = arith.constant 0 : i32
          %dma_start3A_192 = tpu.memref_slice %arg8[%dma_start3A_182, %dma_start3A_190, %dma_start3A_191] : memref<2x32x1024xf32, #tpu.memory_space<vmem>> -> memref<1x32x1024xf32, #tpu.memory_space<vmem>>
          %dma_start3A_193 = tpu.memref_squeeze %dma_start3A_192 : memref<1x32x1024xf32, #tpu.memory_space<vmem>> -> memref<32x1024xf32, #tpu.memory_space<vmem>>
          %dma_start3A_194 = arith.constant 0 : i32
          %dma_start3A_195 = tpu.memref_slice %arg3[%arg1, %add3A_181, %dma_start3A_194] : memref<16x4096x1024xf32, #tpu.memory_space<hbm>> -> memref<1x32x1024xf32, #tpu.memory_space<hbm>>
          %dma_start3A_196 = tpu.memref_squeeze %dma_start3A_195 : memref<1x32x1024xf32, #tpu.memory_space<hbm>> -> memref<32x1024xf32, #tpu.memory_space<hbm>>
          tpu.enqueue_dma source(%dma_start3A_196 : memref<32x1024xf32, #tpu.memory_space<hbm>>) target(%dma_start3A_193 : memref<32x1024xf32, #tpu.memory_space<vmem>>) target_semaphore(%arg11 : memref<!tpu.dma_semaphore, #tpu.memory_space<semaphore_mem>>)
        } else {
        }
      }
      %scan3A_44 = arith.constant 32 : i32
    } else {
    }
    return
  }
}

</mosaic_0001>

<sc_bundles>
// kernel: kernel.3.cloned.1.call-start
scs
__scs_entry_jumppad:
0x0: {  	(pc) =	sbr.rel $0x88, $3  }
0x1: {  	(tag) =	ssettag $0x0;
	lr =	simm.s32 $0x1  }
0x2: {  	[smem:$0x3F9E] =	sst lr;
	_ =	strace $0xD0000000  }
0x3: {  	_ = 	snop  }
0x4: {  	_ = 	snop  }
0x5: {  	_ = 	snop  }
0x6: {  	_ = 	snop  }
0x7: {  	_ = 	snop  }
__scs_overlays_trampoline_lowered:
0x8: {  	[smem:$0x3FAD] =	sst s0  }
0x9: {  	[smem:$0x3FAE] =	sst s1  }
0xa: {  	[smem:$0x3FAF] =	sst s2  }
0xb: {  	[smem:$0x3FB0] =	sst s3  }
0xc: {  	[smem:$0x3FB1] =	sst s4  }
0xd: {  	[smem:$0x3FB2] =	sst s5  }
0xe: {  	[smem:$0x3FB3] =	sst s6  }
0xf: {  	[smem:$0x3FB4] =	sst s7  }
0x10: {  	[smem:$0x3FB5] =	sst s8  }
0x11: {  	[smem:$0x3FB6] =	sst s9;
	s0 =	simm.s32 @!p0 $0x0  }
0x12: {  	s1 =	sld [smem:$0x3F9C];
	s0 =	simm.s32 @p0 $0x1  }
0x13: {  	[smem:$0x3FB7] =	sst s0;
	s0 =	simm.s32 @!p1 $0x0  }
0x14: {  	s2 =	sld [smem:$0x3F9B];
	s0 =	simm.s32 @p1 $0x1  }
0x15: {  	[smem:$0x3FB8] =	sst s0;
	s0 =	simm.s32 @!p2 $0x0  }
0x16: {  	s3 =	sld [smem:$0x3FDB];
	s0 =	simm.s32 @p2 $0x1  }
0x17: {  	s4 =	simm.s32 $0x1BF5;
	[smem:$0x3FBA] =	sst s0  }
0x18: {  	s0 =	sld [smem:$0x3F9D];
	_ =	swait.ge [sflag:s4], $0x0  }
0x19: {  	s7 =	sld [smem:$0x3F9E]  }
0x1a: {  	s8 =	sadd.s32 $0xFFFFE003, lr  }
0x1b: {  	s9 =	sadd.s32 $0xFFFFFEF7, lr;
	s5 =	simm.s32 $0xFFFFFFFF;
	p2 =	slt.u32 s8, $0xFFFFF086  }
0x1c: {  	p1 =	slt.u32 s9, $0xF7A;
	s5 =	simm.s32 @!p2 $0x0  }
0x1d: {  	s5 =	simm.s32 @p1 $0x1;
	p0 =	seq.s32 s7, s2  }
0x1e: {  	s7 =	smul.u32 @!p0 $0xF7A, s2;
	p2 =	seq.s32 @!p0 s5, $0x0  }
0x1f: {  	s9 =	smul.u32 $0xF7A, s1;
	s8 =	simm.s32 @!p0 $0x1BF5;
	p2 =	por !p2, p0  }
0x20: {  	[sflag:s8] =	ssyncset.s32 @!p0 $0xFFFFF086;
	s6 =	sadd.s32 @!p0 s3, s7;
	s7 =	simm.s32 @!p0 $0x108  }
0x21: {  	s3 =	sadd.s32 s3, s9;
	s6 =	sadd.s32 @!p0 $0x88, s6;
	s7 =	simm.s32 @p2 $0x1082  }
0x22: {  	[simem:s7], [sflag:s8] =	dma.local @!p0 [hbm:s6], $0xF7A  }
0x23: {  	s9 =	sor.u32 $0xD0000000, s2;
	s6 =	simm.s32 $0x108;
	_ =	swait.ge @!p0 [sflag:s8], $0x0  }
0x24: {  	s3 =	sadd.s32 $0x88, s3;
	s6 =	simm.s32 @!p1 $0x1082;
	[sflag:s4] =	ssyncset.s32 $0xFFFFF086  }
0x25: {  	[simem:s6], [sflag:s4] =	dma.local [hbm:s3], $0xF7A  }
0x26: {  	[smem:$0x3F9E] =	sst s1;
	(tag) =	ssettag s2;
	_ =	strace s9  }
0x27: {  	s1 =	sld [smem:$0x3FAE]  }
0x28: {  	s2 =	sld [smem:$0x3FAF]  }
0x29: {  	s4 =	sld [smem:$0x3FB1]  }
0x2a: {  	p0 =	seq.s32 s5, $0x0;
	s5 =	sld [smem:$0x3FB2]  }
0x2b: {  	s6 =	sld [smem:$0x3FB3]  }
0x2c: {  	s7 =	sld [smem:$0x3FB4]  }
0x2d: {  	s3 =	simm.s32 $0x108;
	s8 =	sld [smem:$0x3FB5]  }
0x2e: {  	s3 =	simm.s32 @!p0 $0x1082;
	s9 =	sld [smem:$0x3FB6]  }
0x2f: {  	lr =	sadd.s32 s0, s3;
	s0 =	sld [smem:$0x3FAD]  }
0x30: {  	s3 =	sld [smem:$0x3FB0]  }
0x31: {  	[smem:$0x3FB9] =	sst s10  }
0x32: {  	s10 =	sld [smem:$0x3FB7];
	_ =	sdelay $0x3  }
0x33: {  	p0 =	seq.s32 s10, $0x1;
	s10 =	sld [smem:$0x3FB9];
	_ =	sdelay $0x3  }
0x34: {  	[smem:$0x3FB9] =	sst s10  }
0x35: {  	s10 =	sld [smem:$0x3FB8];
	_ =	sdelay $0x3  }
0x36: {  	p1 =	seq.s32 s10, $0x1;
	s10 =	sld [smem:$0x3FB9];
	_ =	sdelay $0x3  }
0x37: {  	[smem:$0x3FB9] =	sst s10  }
0x38: {  	s10 =	sld [smem:$0x3FBA]  }
0x39: {  	_ = 	snop;
	(pc) =	sbr.ind lr, $3  }
0x3a: {  	_ = 	snop  }
0x3b: {  	_ = 	snop  }
0x3c: {  	p2 =	seq.s32 s10, $0x1;
	s10 =	sld [smem:$0x3FB9]  }
0x3d: {  	_ =	shalt  }
0x3e: {  	_ =	shalt  }
0x3f: {  	_ =	shalt  }
0x40: {  	_ =	shalt  }
0x41: {  	_ =	shalt  }
0x42: {  	_ =	shalt  }
0x43: {  	_ =	shalt  }
0x44: {  	_ =	shalt  }
0x45: {  	_ =	shalt  }
0x46: {  	_ =	shalt  }
0x47: {  	_ =	shalt  }
0x48: {  	_ =	shalt  }
0x49: {  	_ =	shalt  }
0x4a: {  	_ =	shalt  }
0x4b: {  	_ =	shalt  }
0x4c: {  	_ =	shalt  }
0x4d: {  	_ =	shalt  }
0x4e: {  	_ =	shalt  }
0x4f: {  	_ =	shalt  }
0x50: {  	_ =	shalt  }
0x51: {  	_ =	shalt  }
0x52: {  	_ =	shalt  }
0x53: {  	_ =	shalt  }
0x54: {  	_ =	shalt  }
0x55: {  	_ =	shalt  }
0x56: {  	_ =	shalt  }
0x57: {  	_ =	shalt  }
0x58: {  	_ =	shalt  }
0x59: {  	_ =	shalt  }
0x5a: {  	_ =	shalt  }
0x5b: {  	_ =	shalt  }
0x5c: {  	_ =	shalt  }
0x5d: {  	_ =	shalt  }
0x5e: {  	_ =	shalt  }
0x5f: {  	_ =	shalt  }
0x60: {  	_ =	shalt  }
0x61: {  	_ =	shalt  }
0x62: {  	_ =	shalt  }
0x63: {  	_ =	shalt  }
0x64: {  	_ =	shalt  }
0x65: {  	_ =	shalt  }
0x66: {  	_ =	shalt  }
0x67: {  	_ =	shalt  }
0x68: {  	_ =	shalt  }
0x69: {  	_ =	shalt  }
0x6a: {  	_ =	shalt  }
0x6b: {  	_ =	shalt  }
0x6c: {  	_ =	shalt  }
0x6d: {  	_ =	shalt  }
0x6e: {  	_ =	shalt  }
0x6f: {  	_ =	shalt  }
0x70: {  	_ =	shalt  }
0x71: {  	_ =	shalt  }
0x72: {  	_ =	shalt  }
0x73: {  	_ =	shalt  }
0x74: {  	_ =	shalt  }
0x75: {  	_ =	shalt  }
0x76: {  	_ =	shalt  }
0x77: {  	_ =	shalt  }
0x78: {  	_ =	shalt  }
0x79: {  	_ =	shalt  }
0x7a: {  	_ =	shalt  }
0x7b: {  	_ =	shalt  }
0x7c: {  	_ =	shalt  }
0x7d: {  	_ =	shalt  }
0x7e: {  	_ =	shalt  }
0x7f: {  	_ =	shalt  }
0x80: {  	_ =	shalt  }
0x81: {  	_ =	shalt  }
0x82: {  	_ =	shalt  }
0x83: {  	_ =	shalt  }
0x84: {  	_ =	shalt  }
0x85: {  	_ =	shalt  }
0x86: {  	_ =	shalt  }
0x87: {  	_ =	shalt  }
.Lfunc_end0:
.L_simem_size_0:
called_computation.2_lowered:
.L_overlay_start_0:
0x88: {  	s2 =	sld [smem:$0x3FD9]  }
0x89: {  	s3 =	sld [smem:$0x3FFE];
	_ =	sdelay $0x1  }
0x8a: {  	s1 =	srdreg.scid  }
0x8b: {  	s0 =	sand.u32 $0x1, s1  }
0x8c: {  	s14 =	sshll.u32 s0, $0xA;
	s2 =	sadd.s32 s3, s2  }
0x8d: {  	s2 =	sadd.s32 s2, s14  }
0x8e: {  	[smem:$0x3FC5] =	sst s2  }
0x8f: {  	_ = 	snop  }
0x90: {  	s2 =	sld [smem:$0x3FD0];
	_ =	sdelay $0x2  }
0x91: {  	s15 =	simm.s32 $0xB;
	s4 =	simm.s32 $0x10  }
0x92: {  	[smem:s4], [sflag:s15] =	dma.local [hbm:s2], $0x1  }
0x93: {  	_ =	swait.eq [sflag:s15], $0x1  }
0x94: {  	[sflag:s15] =	ssyncset.done $0x0  }
0x95: {  	[sflag:s15] =	ssyncadd.s32 $0xFFFFFFFF  }
0x96: {  	s16 =	sld [smem:$0x11];
	(tm) =	ssettm $0x1  }
0x97: {  	s17 =	sld [smem:$0x3FFB];
	_ =	sdelay $0x3  }
0x98: {  	_ =	strace s17  }
0x99: {  	s3 =	sld [smem:$0x3FFC];
	_ =	sdelay $0x3  }
0x9a: {  	_ =	strace s3  }
0x9b: {  	s3 =	sld [smem:$0x3FFD];
	_ =	sdelay $0x3  }
0x9c: {  	_ =	strace s3  }
0x9d: {  	_ =	strace $0x8FFFFFFF  }
0x9e: {  	s18 =	sld [smem:$0x3FDB];
	_ =	sdelay $0x1  }
0x9f: {  	s19 =	simm.s32 $_scs_section_size  }
0xa0: {  	s5 =	simm.s32 $_size__tile_overlayer_lowered;
	s6 =	simm.s32 $_tile_overlayer_lowered  }
0xa1: {  	s22 =	simm.s32 $0x1BFF;
	s21 =	sshll.u32 s6, $0x1;
	s3 =	sadd.s32 s19, s18  }
0xa2: {  	s7 =	simm.s32 $0x0;
	s20 =	sshll.u32 s5, $0x1;
	s5 =	sadd.s32 s21, s3  }
0xa3: {  	[timem:s7], [sflag:s22] =	dma.local [hbm:s5], s20  }
0xa4: {  	_ =	swait.ge [sflag:s22], s20  }
0xa5: {  	s4 =	ssub.s32 $0x0, s20;
	[sflag:s22] =	ssyncset.done $0x0  }
0xa6: {  	[sflag:s22] =	ssyncadd.s32 s4;
	_ =	sdelay $0x1  }
0xa7: {  	s23 =	simm.s32 $0x1B8B  }
0xa8: {  	_ =	swait.ge [sflag:s23], $0x1  }
0xa9: {  	[sflag:s23] =	ssyncset.done $0x0  }
0xaa: {  	s25 =	simm.s32 $0x1B8E;
	s24 =	sld [smem:$0x3FFE];
	[sflag:s23] =	ssyncadd.s32 $0xFFFFFFFF  }
0xab: {  	s26 =	simm.s32 $execute0_lowered;
	[smem:$0x3FD2] =	sst s25  }
0xac: {  	s5 =	sshll.u32 s26, $0x1;
	_ =	strace $0x8000004C;
	[dreg:$0x1] =	wrdreg $0xFFFFFFFF  }
0xad: {  	s28 =	simm.s32 $_size_execute0_lowered;
	s3 =	sadd.s32 s3, s5;
	[dreg:$0x0] =	wrdreg $0x0  }
0xae: {  	s5 =	sshll.u32 s28, $0x1;
	[dreg:$0x2] =	wrdreg s3  }
0xaf: {  	[dreg:$0x3] =	wrdreg s5  }
0xb0: {  	[dreg:$0x4] =	wrdreg $0xC0  }
0xb1: {  	_ =	task [dreg:s7], $0x5FFFF  }
0xb2: {  	[dreg:$0x1] =	wrdreg $0xFFFFFFFF  }
0xb3: {  	[dreg:$0x0] =	wrdreg $0x60  }
0xb4: {  	[dreg:$0x2] =	wrdreg s24  }
0xb5: {  	[dreg:$0x3] =	wrdreg s16  }
0xb6: {  	[dreg:$0x4] =	wrdreg $0x9  }
0xb7: {  	_ =	task.clear_ibuf [dreg:s7], $0x5FFFF;
	_ =	strace $0x9000004C  }
0xb8: {  	s29 =	simm.s32 $0x9;
	_ =	strace $0x8000004E  }
0xb9: {  	_ =	swait.ge [sflag:s29], $0x1  }
0xba: {  	[sflag:s29] =	ssyncadd.s32 $0xFFFFFFFF  }
0xbb: {  	_ =	strace $0x9000004E  }
0xbc: {  	_ =	sfence  }
0xbd: {  	s30 =	sld [smem:$0x0];
	_ =	sdelay $0x2  }
0xbe: {  	s31 =	sshll.u32 s1, $0xD;
	s1 =	sshrl.u32 s1, $0x2  }
0xbf: {  	s3 =	sand.u32 $0x4000, s31;
	s1 =	sadd.s32 s1, s30  }
0xc0: {  	s0 =	sor.u32 s3, s0;
	s1 =	sshll.u32 s1, $0x11  }
0xc1: {  	s0 =	sor.u32 s1, s0  }
0xc2: {  	s0 =	sadd.s32 $0x8F2B, s0  }
0xc3: {  	[sflag:s0] =	ssyncadd.remote.s32 $0x1  }
0xc4: {  	_ =	sfence.sel $0xFFFF  }
0xc5: {  	[dreg:$0x0] =	wrdreg $0xFFFFFFFF;
	(pc) =	sbr.abs _section_cstart, $3  }
0xc6: {  	[dreg:$0x1] =	wrdreg $0xFFFFFFFF  }
0xc7: {  	_ =	task.clear_ibuf [dreg:s7], $0x2FFFF;
	_ =	strace $0x9FFFFFFF  }
0xc8: {  	(tm) =	ssettm $0x7FFFFFFF  }
0xc9: {  	_ =	shalt  }
tec
execute0_lowered:
.L_overlay_start_1:
0x0: {  	(tag) =	ssettag $0x1  }
0x1: {  	s3 =	rddreg [dreg:$0x0]  }
0x2: {  	s14 =	rddreg [dreg:$0x1]  }
0x3: {  	s0 =	rddreg [dreg:$0x2];
	s2 =	simm.s32 $0x0  }
0x4: {  	s1 =	stileid.u32;
	s5 =	srdreg.scid;
	s19 =	simm.s32 $0x1  }
0x5: {  	s20 =	simm.s32 $0x2;
	s21 =	simm.s32 $0x3;
	s22 =	simm.s32 $0x4  }
0x6: {  	s23 =	simm.s32 $0x10000;
	s24 =	simm.s32 $0x0;
	[smem:$0x7FF] =	sst s2  }
0x7: {  	s4 =	sshll.u32 s1, $0x13;
	s30 =	sshll.u32 s1, $0xC;
	s5 =	sand.u32 $0x1, s5  }
0x8: {  	s6 =	sshll.u32 s1, $0xB;
	s16 =	sadd.s32 $0x1011400, s3;
	s18 =	sshll.u32 s1, $0x12  }
0x9: {  	_ =	strace $0x8000004D;
	s17 =	sadd.s32 s4, s3;
	s4 =	sadd.s32 s30, s3  }
0xa: {  	s7 =	ssub.s32 $0x2, s5;
	s6 =	sadd.s32 s6, s3;
	p0 =	seq.s32 s5, $0x1  }
0xb: {  	s12 =	sor.u32 $0x3E000, s18;
	s13 =	sor.u32 $0x3F000, s18;
	s4 =	sadd.s32 $0x1001A75, s4  }
0xc: {  	s31 =	sshrl.u32 s7, $0x1;
	s5 =	sadd.s32 $0x1411400, s6;
	s6 =	sadd.s32 $0x834E80, s17  }
.Ltmp0:
0xd: {  	s3 =	sadd.s32 $0x34E80, s17;
	s8 =	sadd.s32 $0x835E80, s17;
	(pc) =	sbr.rel .LBB2_1-.Ltmp0, $4  }
0xe: {  	s10 =	sadd.s32 s14, s12;
	s11 =	sadd.s32 s14, s13;
	s12 =	sadd.s32 s16, s12  }
0xf: {  	s13 =	sadd.s32 s16, s13;
	s14 =	sadd.s32 s18, s14;
	s15 =	sadd.s32 $0x1400, s17  }
0x10: {  	s16 =	sadd.s32 s18, s16;
	s18 =	simm.s32 $0x8000;
	s9 =	ssub.s32 s7, s31  }
0x11: {  	s7 =	sadd.s32 $0x35E80, s17;
	s17 =	sadd.s32 $0x801400, s17;
	s9 =	smax.u32 s9, $0x1  }
.LBB2_7:
0x12: {  	[tilespmem:s18], [sflag:$0x2] =	stream.linear.gather [hbm4b:s26+s2], $0x8000, $0x38;
	[tilespmem:$0x14000] =	vst v63  }
0x13: {  	_ =	swait.ge [sflag:s19], $0x8000  }
0x14: {  	[sflag:s19] =	ssyncset.done $0x0  }
0x15: {  	[sflag:s19] =	ssyncadd.s32 $0xFFFF8000  }
0x16: {  	[hbm4b:s12+s2] =	stream.linear.scatter [tilespmem:s2], [sflag:$0x3], $0x8000, $0x38;
	[tilespmem:$0x14000] =	vst v63  }
0x17: {  	_ =	swait.ge [sflag:s20], $0x8000  }
0x18: {  	[sflag:s20] =	ssyncset.done $0x0  }
0x19: {  	[sflag:s20] =	ssyncadd.s32 $0xFFFF8000  }
0x1a: {  	[hbm4b:s13+s2] =	stream.linear.scatter [tilespmem:s18], [sflag:$0x4], $0x8000, $0x38;
	[tilespmem:$0x14000] =	vst v63  }
0x1b: {  	_ =	swait.ge [sflag:s21], $0x8000  }
0x1c: {  	[sflag:s21] =	ssyncset.done $0x0  }
0x1d: {  	[sflag:s21] =	ssyncadd.s32 $0xFFFF8000  }
0x1e: {  	_ =	swait.ge [sflag:s22], $0x8000  }
0x1f: {  	[sflag:s22] =	ssyncset.done $0x0  }
0x20: {  	[sflag:s22] =	ssyncadd.s32 $0xFFFF8000  }
.LBB2_8:
0x21: {  	s24 =	sadd.s32 $0x1, s24  }
0x22: {  	p1 =	sne.s32 s24, s9  }
.Ltmp1:
0x23: {  	_ = 	snop;
	(pc) =	sbr.rel @!p1 .LBB2_9-.Ltmp1, $1  }
0x24: {  	_ =	sdelay $0x3  }
.LBB2_1:
.Ltmp2:
0x25: {  	(pc) =	sbr.rel @!p0 .LBB2_2-.Ltmp2, $2  }
0x26: {  	_ =	sdelay $0x2  }
0x27: {  	s25 =	simm.s32 $0x0  }
0x28: {  	[tilespmem:s25], [sflag:$0x1] =	stream.linear.gather [hbm4b:s6+s25], $0x8000, $0x38;
	[tilespmem:$0x14000] =	vst v63  }
0x29: {  	_ = 	snop  }
0x2a: {  	[tilespmem:s18], [sflag:$0x2] =	stream.linear.gather [hbm4b:s8+s25], $0x8000, $0x38;
	[tilespmem:$0x14000] =	vst v63  }
0x2b: {  	_ =	swait.ge [sflag:s19], $0x8000  }
0x2c: {  	[sflag:s19] =	ssyncset.done $0x0  }
0x2d: {  	s30 =	sadd.s32 $0x0, s16;
	[sflag:s19] =	ssyncadd.s32 $0xFFFF8000  }
0x2e: {  	[hbm4b:s30+s2] =	stream.linear.scatter [tilespmem:s2], [sflag:$0x3], $0x8000, $0x38;
	[tilespmem:$0x14000] =	vst v63  }
0x2f: {  	_ =	swait.ge [sflag:s20], $0x8000  }
0x30: {  	[sflag:s20] =	ssyncset.done $0x0  }
0x31: {  	s25 =	sadd.s32 $0x1000, s30;
	[sflag:s20] =	ssyncadd.s32 $0xFFFF8000  }
0x32: {  	[hbm4b:s25+s2] =	stream.linear.scatter [tilespmem:s18], [sflag:$0x4], $0x8000, $0x38;
	[tilespmem:$0x14000] =	vst v63  }
0x33: {  	_ =	swait.ge [sflag:s21], $0x8000  }
0x34: {  	s26 =	sadd.s32 $0x0, s17;
	[sflag:s21] =	ssyncset.done $0x0  }
0x35: {  	s31 =	sadd.s32 $0x35A80, s26;
	[sflag:s21] =	ssyncadd.s32 $0xFFFF8000  }
0x36: {  	[tilespmem:s2], [sflag:$0x1] =	stream.linear.gather [hbm4b:s31+s2], $0x8000, $0x38;
	[tilespmem:$0x14000] =	vst v63  }
0x37: {  	_ =	swait.ge [sflag:s22], $0x8000  }
0x38: {  	[sflag:s22] =	ssyncset.done $0x0  }
0x39: {  	s26 =	sadd.s32 $0x36A80, s26;
	s25 =	simm.s32 $0x2000;
	[sflag:s22] =	ssyncadd.s32 $0xFFFF8000  }
.LBB2_6:
0x3a: {  	[tilespmem:s18], [sflag:$0x2] =	stream.linear.gather [hbm4b:s26+s2], $0x8000, $0x38;
	[tilespmem:$0x14000] =	vst v63  }
0x3b: {  	s26 =	smov.u32 s25  }
0x3c: {  	p1 =	sne.s32 s25, $0x3C000;
	s25 =	sadd.s32 $0x2000, s25;
	_ =	swait.ge [sflag:s19], $0x8000  }
0x3d: {  	[sflag:s19] =	ssyncset.done $0x0  }
0x3e: {  	s28 =	sadd.s32 s26, s16;
	[sflag:s19] =	ssyncadd.s32 $0xFFFF8000  }
0x3f: {  	[hbm4b:s28+s2] =	stream.linear.scatter [tilespmem:s2], [sflag:$0x3], $0x8000, $0x38;
	[tilespmem:$0x14000] =	vst v63  }
0x40: {  	_ =	swait.ge [sflag:s20], $0x8000  }
0x41: {  	[sflag:s20] =	ssyncset.done $0x0  }
0x42: {  	s28 =	sadd.s32 $0x1000, s28;
	[sflag:s20] =	ssyncadd.s32 $0xFFFF8000  }
0x43: {  	[hbm4b:s28+s2] =	stream.linear.scatter [tilespmem:s18], [sflag:$0x4], $0x8000, $0x38;
	[tilespmem:$0x14000] =	vst v63  }
0x44: {  	_ =	swait.ge [sflag:s21], $0x8000  }
0x45: {  	s26 =	sadd.s32 s26, s17;
	[sflag:s21] =	ssyncset.done $0x0  }
.Ltmp3:
0x46: {  	s28 =	sadd.s32 $0x35A80, s26;
	[sflag:s21] =	ssyncadd.s32 $0xFFFF8000;
	(pc) =	sbr.rel @p1 .LBB2_6-.Ltmp3, $4  }
0x47: {  	[tilespmem:s2], [sflag:$0x1] =	stream.linear.gather [hbm4b:s28+s2], $0x8000, $0x38;
	[tilespmem:$0x14000] =	vst v63  }
0x48: {  	_ =	swait.ge [sflag:s22], $0x8000  }
0x49: {  	[sflag:s22] =	ssyncset.done $0x0  }
0x4a: {  	s26 =	sadd.s32 $0x36A80, s26;
	[sflag:s22] =	ssyncadd.s32 $0xFFFF8000  }
.Ltmp4:
0x4b: {  	_ = 	snop;
	(pc) =	sbr.rel .LBB2_7-.Ltmp4, $1  }
0x4c: {  	_ =	sdelay $0x3  }
.LBB2_2:
0x4d: {  	[tilespmem:s25], [sflag:$0x1] =	stream.linear.gather [hbm4b:s3+s25], $0x8000, $0x38;
	[tilespmem:$0x14000] =	vst v63  }
0x4e: {  	_ = 	snop  }
0x4f: {  	[tilespmem:s18], [sflag:$0x2] =	stream.linear.gather [hbm4b:s7+s25], $0x8000, $0x38;
	[tilespmem:$0x14000] =	vst v63  }
0x50: {  	_ =	swait.ge [sflag:s19], $0x8000  }
0x51: {  	[sflag:s19] =	ssyncset.done $0x0  }
0x52: {  	s30 =	sadd.s32 $0x0, s14;
	[sflag:s19] =	ssyncadd.s32 $0xFFFF8000  }
0x53: {  	[hbm4b:s30+s2] =	stream.linear.scatter [tilespmem:s2], [sflag:$0x3], $0x8000, $0x38;
	[tilespmem:$0x14000] =	vst v63  }
0x54: {  	_ =	swait.ge [sflag:s20], $0x8000  }
0x55: {  	[sflag:s20] =	ssyncset.done $0x0  }
0x56: {  	s25 =	sadd.s32 $0x1000, s30;
	[sflag:s20] =	ssyncadd.s32 $0xFFFF8000  }
0x57: {  	[hbm4b:s25+s2] =	stream.linear.scatter [tilespmem:s18], [sflag:$0x4], $0x8000, $0x38;
	[tilespmem:$0x14000] =	vst v63  }
0x58: {  	_ =	swait.ge [sflag:s21], $0x8000  }
0x59: {  	s26 =	sadd.s32 $0x0, s15;
	[sflag:s21] =	ssyncset.done $0x0  }
0x5a: {  	s31 =	sadd.s32 $0x35A80, s26;
	[sflag:s21] =	ssyncadd.s32 $0xFFFF8000  }
0x5b: {  	[tilespmem:s2], [sflag:$0x1] =	stream.linear.gather [hbm4b:s31+s2], $0x8000, $0x38;
	[tilespmem:$0x14000] =	vst v63  }
0x5c: {  	_ =	swait.ge [sflag:s22], $0x8000  }
0x5d: {  	[sflag:s22] =	ssyncset.done $0x0  }
0x5e: {  	s26 =	sadd.s32 $0x36A80, s26;
	s25 =	simm.s32 $0x2000;
	[sflag:s22] =	ssyncadd.s32 $0xFFFF8000  }
.LBB2_3:
0x5f: {  	[tilespmem:s18], [sflag:$0x2] =	stream.linear.gather [hbm4b:s26+s2], $0x8000, $0x38;
	[tilespmem:$0x14000] =	vst v63  }
0x60: {  	s26 =	smov.u32 s25  }
0x61: {  	p1 =	sne.s32 s25, $0x3C000;
	s25 =	sadd.s32 $0x2000, s25;
	_ =	swait.ge [sflag:s19], $0x8000  }
0x62: {  	[sflag:s19] =	ssyncset.done $0x0  }
0x63: {  	s28 =	sadd.s32 s26, s14;
	[sflag:s19] =	ssyncadd.s32 $0xFFFF8000  }
0x64: {  	[hbm4b:s28+s2] =	stream.linear.scatter [tilespmem:s2], [sflag:$0x3], $0x8000, $0x38;
	[tilespmem:$0x14000] =	vst v63  }
0x65: {  	_ =	swait.ge [sflag:s20], $0x8000  }
0x66: {  	[sflag:s20] =	ssyncset.done $0x0  }
0x67: {  	s28 =	sadd.s32 $0x1000, s28;
	[sflag:s20] =	ssyncadd.s32 $0xFFFF8000  }
0x68: {  	[hbm4b:s28+s2] =	stream.linear.scatter [tilespmem:s18], [sflag:$0x4], $0x8000, $0x38;
	[tilespmem:$0x14000] =	vst v63  }
0x69: {  	_ =	swait.ge [sflag:s21], $0x8000  }
0x6a: {  	s26 =	sadd.s32 s26, s15;
	[sflag:s21] =	ssyncset.done $0x0  }
.Ltmp5:
0x6b: {  	s28 =	sadd.s32 $0x35A80, s26;
	[sflag:s21] =	ssyncadd.s32 $0xFFFF8000;
	(pc) =	sbr.rel @p1 .LBB2_3-.Ltmp5, $4  }
0x6c: {  	[tilespmem:s2], [sflag:$0x1] =	stream.linear.gather [hbm4b:s28+s2], $0x8000, $0x38;
	[tilespmem:$0x14000] =	vst v63  }
0x6d: {  	_ =	swait.ge [sflag:s22], $0x8000  }
0x6e: {  	[sflag:s22] =	ssyncset.done $0x0  }
0x6f: {  	s26 =	sadd.s32 $0x36A80, s26;
	[sflag:s22] =	ssyncadd.s32 $0xFFFF8000  }
0x70: {  	[tilespmem:s18], [sflag:$0x2] =	stream.linear.gather [hbm4b:s26+s2], $0x8000, $0x38;
	[tilespmem:$0x14000] =	vst v63  }
0x71: {  	_ =	swait.ge [sflag:s19], $0x8000  }
0x72: {  	[sflag:s19] =	ssyncset.done $0x0  }
0x73: {  	[sflag:s19] =	ssyncadd.s32 $0xFFFF8000  }
0x74: {  	[hbm4b:s10+s2] =	stream.linear.scatter [tilespmem:s2], [sflag:$0x3], $0x8000, $0x38;
	[tilespmem:$0x14000] =	vst v63  }
0x75: {  	_ =	swait.ge [sflag:s20], $0x8000  }
0x76: {  	[sflag:s20] =	ssyncset.done $0x0  }
0x77: {  	[sflag:s20] =	ssyncadd.s32 $0xFFFF8000  }
0x78: {  	[hbm4b:s11+s2] =	stream.linear.scatter [tilespmem:s18], [sflag:$0x4], $0x8000, $0x38;
	[tilespmem:$0x14000] =	vst v63  }
0x79: {  	_ =	swait.ge [sflag:s21], $0x8000  }
0x7a: {  	[sflag:s21] =	ssyncset.done $0x0  }
0x7b: {  	[sflag:s21] =	ssyncadd.s32 $0xFFFF8000  }
0x7c: {  	_ =	swait.ge [sflag:s22], $0x8000  }
0x7d: {  	[sflag:s22] =	ssyncset.done $0x0  }
0x7e: {  	[sflag:s22] =	ssyncadd.s32 $0xFFFF8000  }
0x7f: {  	[tilespmem:s23], [sflag:$0x1] =	stream.linear.gather [hbm4b:s4+s2], $0x4000, $0x38;
	[tilespmem:$0x14000] =	vst v63  }
0x80: {  	_ =	swait.ge [sflag:s19], $0x4000  }
0x81: {  	[sflag:s19] =	ssyncset.done $0x0  }
.Ltmp6:
0x82: {  	[sflag:s19] =	ssyncadd.s32 $0xFFFFC000;
	(pc) =	sbr.rel .LBB2_8-.Ltmp6, $4  }
0x83: {  	[hbm4b:s5+s2] =	stream.linear.scatter [tilespmem:s23], [sflag:$0x3], $0x4000, $0x38;
	[tilespmem:$0x14000] =	vst v63  }
0x84: {  	_ =	swait.ge [sflag:s21], $0x4000  }
0x85: {  	[sflag:s21] =	ssyncset.done $0x0  }
0x86: {  	[sflag:s21] =	ssyncadd.s32 $0xFFFFC000  }
.LBB2_9:
0x87: {  	_ =	sfence.sel $0x180000  }
0x88: {  	[bflag:$0x0] =	sbarrier.arrive $0xFFFF  }
0x89: {  	p0 =	sne.s32 s1, $0x0;
	_ =	strace $0x9000004D  }
0x8a: {  	s0 =	sadd.s32 @!p0 $0x100000, s0;
	[bflag:$0x2] =	sbarrier.arrive $0xFFFF  }
0x8b: {  	[sflag:s0] =	ssyncadd.tile.s32 @!p0 $0x1;
	_ =	shalt  }
.Lfunc_end2:
_tile_overlayer_lowered:
.L_overlay_start_2:
0x8c: {  	(tag) =	ssettag $0x2  }
0x8d: {  	s0 =	rddreg [dreg:$0x0];
	s2 =	stileid.u32  }
0x8e: {  	s1 =	rddreg [dreg:$0x1];
	p0 =	sne.s32 s2, $0x0  }
0x8f: {  	s3 =	rddreg [dreg:$0x2];
	[bflag:$0x3] =	sbarrier.arrive $0xFFFF;
	s2 =	simm.s32 @!p0 $0x1C05  }
0x90: {  	[timem:s3], [sflag:s2] =	dma.local @!p0 [hbm:s0], s1  }
0x91: {  	s0 =	simm.s32 @!p0 $0x5  }
0x92: {  	_ =	swait.ge @!p0 [sflag:s0], s1  }
0x93: {  	s1 =	ssub.s32 @!p0 $0x0, s1;
	[sflag:s0] =	ssyncset.done @!p0 $0x0  }
0x94: {  	[sflag:s0] =	ssyncadd.s32 @!p0 s1  }
0x95: {  	[bflag:$0x3] =	sbarrier.arrive $0xFFFF  }
0x96: {  	_ =	shalt  }

// kernel: sparse-core-data-format-call.1.cloned.1.call-start
scs
called_computation.1_lowered:
.L_overlay_start_0:
0x0: {  	s2 =	sld [smem:$0x3FD9]  }
0x1: {  	s3 =	sld [smem:$0x3FFE];
	_ =	sdelay $0x1  }
0x2: {  	s1 =	srdreg.scid  }
0x3: {  	s0 =	sand.u32 $0x1, s1  }
0x4: {  	s18 =	sshll.u32 s0, $0xA;
	s2 =	sadd.s32 s3, s2  }
0x5: {  	s2 =	sadd.s32 s2, s18  }
0x6: {  	[smem:$0x3FC5] =	sst s2  }
0x7: {  	_ = 	snop  }
0x8: {  	s2 =	sld [smem:$0x3FC9];
	(tm) =	ssettm $0x1  }
0x9: {  	s19 =	sld [smem:$0x3FFB];
	_ =	sdelay $0x3  }
0xa: {  	_ =	strace s19  }
0xb: {  	s3 =	sld [smem:$0x3FFC];
	_ =	sdelay $0x3  }
0xc: {  	_ =	strace s3  }
0xd: {  	s3 =	sld [smem:$0x3FFD];
	_ =	sdelay $0x3  }
0xe: {  	_ =	strace s3  }
0xf: {  	_ =	strace $0x8FFFFFFF  }
0x10: {  	s20 =	sld [smem:$0x3FDB];
	_ =	sdelay $0x1  }
0x11: {  	s4 =	simm.s32 $_scs_section_size  }
0x12: {  	s5 =	simm.s32 $_size__tile_overlayer_lowered;
	s6 =	simm.s32 $_tile_overlayer_lowered  }
0x13: {  	s23 =	simm.s32 $0x1BFF;
	s22 =	sshll.u32 s6, $0x1;
	s3 =	sadd.s32 s4, s20  }
0x14: {  	s7 =	simm.s32 $0x0;
	s21 =	sshll.u32 s5, $0x1;
	s5 =	sadd.s32 s22, s3  }
0x15: {  	[timem:s7], [sflag:s23] =	dma.local [hbm:s5], s21  }
0x16: {  	_ =	swait.ge [sflag:s23], s21  }
0x17: {  	s4 =	ssub.s32 $0x0, s21;
	[sflag:s23] =	ssyncset.done $0x0  }
0x18: {  	[sflag:s23] =	ssyncadd.s32 s4;
	_ =	sdelay $0x1  }
0x19: {  	s24 =	simm.s32 $0x1B8B  }
0x1a: {  	_ =	swait.ge [sflag:s24], $0x1  }
0x1b: {  	[sflag:s24] =	ssyncset.done $0x0  }
0x1c: {  	s26 =	simm.s32 $0x1B8E;
	s25 =	sld [smem:$0x3FFE];
	[sflag:s24] =	ssyncadd.s32 $0xFFFFFFFF  }
0x1d: {  	s27 =	simm.s32 $execute0_lowered;
	[smem:$0x3FD2] =	sst s26  }
0x1e: {  	s5 =	sshll.u32 s27, $0x1;
	_ =	strace $0x80000046;
	[dreg:$0x1] =	wrdreg $0xFFFFFFFF  }
0x1f: {  	s28 =	simm.s32 $_size_execute0_lowered;
	s3 =	sadd.s32 s3, s5;
	[dreg:$0x0] =	wrdreg $0x0  }
0x20: {  	s5 =	sshll.u32 s28, $0x1;
	[dreg:$0x2] =	wrdreg s3  }
0x21: {  	[dreg:$0x3] =	wrdreg s5  }
0x22: {  	[dreg:$0x4] =	wrdreg $0xC0  }
0x23: {  	_ =	task [dreg:s7], $0x5FFFF  }
0x24: {  	[dreg:$0x1] =	wrdreg $0xFFFFFFFF  }
0x25: {  	[dreg:$0x0] =	wrdreg $0x60  }
0x26: {  	[dreg:$0x2] =	wrdreg s2  }
0x27: {  	[dreg:$0x3] =	wrdreg s25  }
0x28: {  	[dreg:$0x4] =	wrdreg $0xA  }
0x29: {  	_ =	task.clear_ibuf [dreg:s7], $0x5FFFF;
	_ =	strace $0x90000046  }
0x2a: {  	s29 =	simm.s32 $0xA;
	_ =	strace $0x80000048  }
0x2b: {  	_ =	swait.ge [sflag:s29], $0x1  }
0x2c: {  	[sflag:s29] =	ssyncadd.s32 $0xFFFFFFFF  }
0x2d: {  	_ =	strace $0x90000048  }
0x2e: {  	_ =	sfence  }
0x2f: {  	s30 =	sld [smem:$0x0];
	_ =	sdelay $0x2  }
0x30: {  	s31 =	sshll.u32 s1, $0xD;
	s1 =	sshrl.u32 s1, $0x2  }
0x31: {  	s3 =	sand.u32 $0x4000, s31;
	s1 =	sadd.s32 s1, s30  }
0x32: {  	s0 =	sor.u32 s3, s0;
	s1 =	sshll.u32 s1, $0x11  }
0x33: {  	s0 =	sor.u32 s1, s0  }
0x34: {  	s0 =	sadd.s32 $0x8F2B, s0  }
0x35: {  	[sflag:s0] =	ssyncadd.remote.s32 $0x1  }
0x36: {  	_ =	sfence.sel $0xFFFF  }
0x37: {  	[dreg:$0x0] =	wrdreg $0xFFFFFFFF;
	(pc) =	sbr.abs _section_cstart, $3  }
0x38: {  	[dreg:$0x1] =	wrdreg $0xFFFFFFFF  }
0x39: {  	_ =	task.clear_ibuf [dreg:s7], $0x2FFFF;
	_ =	strace $0x9FFFFFFF  }
0x3a: {  	(tm) =	ssettm $0x7FFFFFFF  }
0x3b: {  	_ =	shalt  }
tec
execute0_lowered:
.L_overlay_start_1:
0x0: {  	(tag) =	ssettag $0x1  }
0x1: {  	s0 =	srdreg.scid  }
0x2: {  	s1 =	sshll.u32 s0, $0x4  }
0x3: {  	s2 =	rddreg [dreg:$0x0];
	s0 =	stileid.u32;
	s1 =	sand.u32 $0x10, s1  }
0x4: {  	s4 =	rddreg [dreg:$0x1];
	s7 =	simm.s32 $0x1;
	s1 =	sor.u32 s0, s1  }
0x5: {  	s8 =	simm.s32 $0x2;
	s9 =	simm.s32 $0x0;
	s3 =	sshll.u32 s1, $0x1  }
0x6: {  	s12 =	simm.s32 $0x0;
	s11 =	simm.s32 $0x0;
	s6 =	ssub.s32 $0x2000, s3  }
.Ltmp0:
0x7: {  	s4 =	sadd.s32 $0x1400, s4;
	s5 =	sand.u32 $0x3E, s6;
	(pc) =	sbr.rel .LBB1_1-.Ltmp0, $4  }
0x8: {  	s1 =	rddreg [dreg:$0x2];
	_ =	strace $0x80000047;
	p0 =	sne.s32 s5, $0x0  }
0x9: {  	s6 =	sshrl.u32 s6, $0x6;
	s5 =	simm.s32 $0x1;
	s7 =	simm.s32 @!p0 $0x0  }
0xa: {  	s10 =	smov.u32 s3;
	[sflag:s5] =	ssyncpa.u1 $0x0;
	s6 =	sadd.s32 s7, s6  }
0xb: {  	[sflag:s8] =	ssyncpa.u1 $0x0;
	s8 =	simm.s32 $0x0;
	s7 =	sadd.s32 $0x1, s6  }
.LBB1_9:
0xc: {  	s14 =	sadd.s32 $0x40, s10  }
0xd: {  	p1 =	sgt.s32 s14, $0x1FFF  }
0xe: {  	s14 =	smov.u32 @p1 s3;
	p1 =	sne.s32 s11, s7  }
.Ltmp1:
0xf: {  	p0 =	slt.u32 s11, $0x2;
	(pc) =	sbr.rel @!p1 .LBB1_10-.Ltmp1, $4  }
0x10: {  	s13 =	simm.s32 @!p0 $0x2  }
0x11: {  	s15 =	sadd.s32 $0x1, s11;
	_ =	swait.ge @!p0 [sflag:s13], $0x4000  }
0x12: {  	s12 =	smov.u32 s10;
	s9 =	sadd.s32 $0x4000, s9;
	[sflag:s13] =	ssyncset.done @!p0 $0x0  }
0x13: {  	s11 =	smov.u32 s15;
	s10 =	smov.u32 s14;
	[sflag:s13] =	ssyncadd.s32 @!p0 $0xFFFFC000  }
.LBB1_1:
0x14: {  	p0 =	sge.u32 s11, s6  }
0x15: {  	s13 =	sxor.u32 @!p0 $0xFFFFFFFF, s11  }
0x16: {  	s31 =	sadd.s32 $0xFFFFFFFF, s11;
	s14 =	sshll.u32 @!p0 s10, $0xA;
	s13 =	sshll.u32 @!p0 s13, $0xE  }
0x17: {  	s15 =	simm.s32 @!p0 $0x0;
	s14 =	sadd.s32 @!p0 s2, s14;
	s13 =	sand.u32 @!p0 $0x4000, s13  }
0x18: {  	[tilespmem:s13], [sflag:$0x1] =	stream.linear.gather @!p0 [hbm4b:s14+s15], $0x4000, $0x38;
	[tilespmem:$0x10000] =	vst v63  }
0x19: {  	p0 =	sge.u32 s31, s6  }
.Ltmp2:
0x1a: {  	_ = 	snop;
	(pc) =	sbr.rel @p0 .LBB1_9-.Ltmp2, $1  }
0x1b: {  	_ =	sdelay $0x3  }
0x1c: {  	s13 =	sshll.u32 s9, $0x2  }
0x1d: {  	_ =	swait.ge [sflag:s5], $0x4000;
	s14 =	sshll.u32 s11, $0xE;
	s16 =	simm.s32 $0x0  }
0x1e: {  	p1 =	por $0x1, $0x1;
	s13 =	sand.u32 $0x10000, s13;
	[sflag:s5] =	ssyncset.done $0x0  }
0x1f: {  	s14 =	sand.u32 $0x4000, s14;
	s15 =	sshrl.u32 s13, $0x2;
	[sflag:s5] =	ssyncadd.s32 $0xFFFFC000  }
0x20: {  	s13 =	sor.u32 $0x8000, s14;
	s14 =	sadd.s32 $0x8040, s15;
	s15 =	sadd.s32 $0x40, s15  }
.LBB1_3:
0x21: {  	s16 =	sshll.u32 s16, $0x2  }
0x22: {  	p0 =	por p1, p1;
	s17 =	sshra.s32 s16, $0x2  }
0x23: {  	s18 =	simm.s32 $0x0;
	s16 =	sadd.s32 s17, s14;
	s17 =	sadd.s32 s17, s15  }
.LBB1_4:
0x24: {  	v0 =	vmov s17;
	_ =	sdelay $0x3  }
0x25: {  	s20 =	simm.s32 $0x0  }
0x26: {  	v6 =	vld.idx.msk [tilespmem:v0+s20+$0x30 ss:$0x1], $0xffff  }
0x27: {  	v7 =	vld.idx.msk [tilespmem:v0+s20+$0xFFFFFFC0 ss:$0x1], $0xffff  }
0x28: {  	v5 =	vld.idx.msk [tilespmem:v0+s20+$0xFFFFFFD0 ss:$0x1], $0xffff  }
0x29: {  	v4 =	vld.idx.msk [tilespmem:v0+s20+$0xFFFFFFE0 ss:$0x1], $0xffff  }
0x2a: {  	v3 =	vld.idx.msk [tilespmem:v0+s20+$0xFFFFFFF0 ss:$0x1], $0xffff  }
0x2b: {  	v1 =	vld.idx.msk [tilespmem:v0+s20+$0x0 ss:$0x1], $0xffff  }
0x2c: {  	v2 =	vld.idx.msk [tilespmem:v0+s20+$0x10 ss:$0x1], $0xffff;
	[tilespmem:s16+$0x30] =	vst v6  }
0x2d: {  	s19 =	simm.s32 $0x80;
	s21 =	simm.s32 $0x400;
	[tilespmem:s16+$0xFFFFFFC0] =	vst v7;
	v6 =	vld.idx.msk [tilespmem:v0+s20+$0x20 ss:$0x1], $0xffff;
	s20 =	smov.u32 s16  }
.LBB1_5:
0x2e: {  	p1 =	sne.s32 s21, $0xE00;
	v7 =	vld.idx.msk [tilespmem:v0+s19+$0x30 ss:$0x1], $0xffff;
	[tilespmem:s20+$0xFFFFFFD0] =	vst v5  }
0x2f: {  	v8 =	vld.idx.msk [tilespmem:v0+s19+$0xFFFFFFC0 ss:$0x1], $0xffff;
	[tilespmem:s20+$0xFFFFFFE0] =	vst v4  }
0x30: {  	v5 =	vld.idx.msk [tilespmem:v0+s19+$0xFFFFFFD0 ss:$0x1], $0xffff;
	[tilespmem:s20+$0xFFFFFFF0] =	vst v3  }
.Ltmp3:
0x31: {  	v4 =	vld.idx.msk [tilespmem:v0+s19+$0xFFFFFFE0 ss:$0x1], $0xffff;
	[tilespmem:s20+$0x0] =	vst v1;
	(pc) =	sbr.rel @p1 .LBB1_5-.Ltmp3, $4  }
0x32: {  	v3 =	vld.idx.msk [tilespmem:v0+s19+$0xFFFFFFF0 ss:$0x1], $0xffff;
	[tilespmem:s20+$0x10] =	vst v2  }
0x33: {  	v1 =	vld.idx.msk [tilespmem:v0+s19+$0x0 ss:$0x1], $0xffff;
	[tilespmem:s20+$0x20] =	vst v6;
	s20 =	sadd.s32 $0x400, s20  }
0x34: {  	v2 =	vld.idx.msk [tilespmem:v0+s19+$0x10 ss:$0x1], $0xffff;
	[tilespmem:s20+$0x30] =	vst v7  }
0x35: {  	[tilespmem:s20+$0xFFFFFFC0] =	vst v8;
	v6 =	vld.idx.msk [tilespmem:v0+s19+$0x20 ss:$0x1], $0xffff;
	s19 =	sshra.s32 s21, $0x2;
	s21 =	sadd.s32 $0x200, s21  }
0x36: {  	_ =	sdelay $0x2  }
0x37: {  	[tilespmem:s20+$0xFFFFFFD0] =	vst v5  }
0x38: {  	v56 =	vld.idx.msk [tilespmem:v0+s19+$0x30 ss:$0x1], $0xffff;
	[tilespmem:s20+$0xFFFFFFE0] =	vst v4  }
0x39: {  	v57 =	vld.idx.msk [tilespmem:v0+s19+$0xFFFFFFC0 ss:$0x1], $0xffff;
	[tilespmem:s20+$0xFFFFFFF0] =	vst v3  }
0x3a: {  	v58 =	vld.idx.msk [tilespmem:v0+s19+$0xFFFFFFD0 ss:$0x1], $0xffff;
	[tilespmem:s20+$0x0] =	vst v1  }
0x3b: {  	v59 =	vld.idx.msk [tilespmem:v0+s19+$0xFFFFFFE0 ss:$0x1], $0xffff;
	[tilespmem:s20+$0x10] =	vst v2  }
0x3c: {  	v60 =	vld.idx.msk [tilespmem:v0+s19+$0xFFFFFFF0 ss:$0x1], $0xffff;
	s31 =	sadd.s32 $0x400, s20;
	[tilespmem:s20+$0x20] =	vst v6  }
0x3d: {  	v61 =	vld.idx.msk [tilespmem:v0+s19+$0x0 ss:$0x1], $0xffff;
	[tilespmem:s31+$0x30] =	vst v56  }
0x3e: {  	v62 =	vld.idx.msk [tilespmem:v0+s19+$0x10 ss:$0x1], $0xffff;
	s18 =	sadd.s32 $0x1, s18;
	[tilespmem:s31+$0xFFFFFFC0] =	vst v57  }
0x3f: {  	v63 =	vld.idx.msk [tilespmem:v0+s19+$0x20 ss:$0x1], $0xffff;
	p1 =	sne.s32 s18, $0x8;
	[tilespmem:s31+$0xFFFFFFD0] =	vst v58  }
.Ltmp4:
0x40: {  	[tilespmem:s31+$0xFFFFFFE0] =	vst v59;
	(pc) =	sbr.rel @p1 .LBB1_4-.Ltmp4, $4  }
0x41: {  	[tilespmem:s31+$0xFFFFFFF0] =	vst v60  }
0x42: {  	[tilespmem:s31+$0x0] =	vst v61  }
0x43: {  	[tilespmem:s31+$0x10] =	vst v62  }
0x44: {  	s16 =	sadd.s32 $0x80, s16;
	s17 =	sadd.s32 $0x400, s17;
	[tilespmem:s31+$0x20] =	vst v63  }
.Ltmp5:
0x45: {  	(pc) =	sbr.rel @p0 .LBB1_3-.Ltmp5, $2  }
0x46: {  	_ =	sdelay $0x2  }
0x47: {  	s16 =	simm.s32 $0x2000;
	p1 =	por $0x0, $0x0  }
.Ltmp6:
0x48: {  	(pc) =	sbr.rel .LBB1_9-.Ltmp6, $4  }
0x49: {  	_ = 	snop  }
0x4a: {  	s12 =	sshll.u32 s12, $0xA  }
0x4b: {  	s12 =	sadd.s32 s4, s12  }
0x4c: {  	[hbm4b:s12+s8] =	stream.linear.scatter [tilespmem:s13], [sflag:$0x2], $0x4000, $0x38;
	[tilespmem:$0x10000] =	vst v63  }
.LBB1_10:
0x4d: {  	_ =	sfence.sel $0x180000  }
0x4e: {  	s2 =	simm.s32 $0x1;
	[bflag:$0x0] =	sbarrier.arrive $0xFFFF  }
0x4f: {  	s31 =	simm.s32 $0x2;
	[sflag:s2] =	ssyncpa.u1 $0x1  }
0x50: {  	[sflag:s31] =	ssyncpa.u1 $0x1  }
0x51: {  	p0 =	sne.s32 s0, $0x0;
	_ =	strace $0x90000047  }
0x52: {  	s0 =	sadd.s32 @!p0 $0x100000, s1;
	[bflag:$0x2] =	sbarrier.arrive $0xFFFF  }
0x53: {  	[sflag:s0] =	ssyncadd.tile.s32 @!p0 $0x1;
	_ =	shalt  }
.Lfunc_end1:
_tile_overlayer_lowered:
.L_overlay_start_2:
0x54: {  	(tag) =	ssettag $0x2  }
0x55: {  	s0 =	rddreg [dreg:$0x0];
	s2 =	stileid.u32  }
0x56: {  	s1 =	rddreg [dreg:$0x1];
	p0 =	sne.s32 s2, $0x0  }
0x57: {  	s3 =	rddreg [dreg:$0x2];
	[bflag:$0x3] =	sbarrier.arrive $0xFFFF;
	s2 =	simm.s32 @!p0 $0x1C01  }
0x58: {  	[timem:s3], [sflag:s2] =	dma.local @!p0 [hbm:s0], s1  }
0x59: {  	s0 =	simm.s32 @!p0 $0x1  }
0x5a: {  	_ =	swait.ge @!p0 [sflag:s0], s1  }
0x5b: {  	s1 =	ssub.s32 @!p0 $0x0, s1;
	[sflag:s0] =	ssyncset.done @!p0 $0x0  }
0x5c: {  	[sflag:s0] =	ssyncadd.s32 @!p0 s1  }
0x5d: {  	[bflag:$0x3] =	sbarrier.arrive $0xFFFF  }
0x5e: {  	_ =	shalt  }

// kernel: sparse-core-data-format-call.cloned.1.call-start
scs
called_computation_lowered:
.L_overlay_start_0:
0x0: {  	s2 =	sld [smem:$0x3FD9]  }
0x1: {  	s3 =	sld [smem:$0x3FFE];
	_ =	sdelay $0x1  }
0x2: {  	s1 =	srdreg.scid  }
0x3: {  	s0 =	sand.u32 $0x1, s1  }
0x4: {  	s18 =	sshll.u32 s0, $0xA;
	s2 =	sadd.s32 s3, s2  }
0x5: {  	s2 =	sadd.s32 s2, s18  }
0x6: {  	[smem:$0x3FC5] =	sst s2  }
0x7: {  	_ = 	snop  }
0x8: {  	s19 =	sld [smem:$0x3FC8];
	(tm) =	ssettm $0x1  }
0x9: {  	s20 =	sld [smem:$0x3FFB];
	_ =	sdelay $0x3  }
0xa: {  	_ =	strace s20  }
0xb: {  	s2 =	sld [smem:$0x3FFC];
	_ =	sdelay $0x3  }
0xc: {  	_ =	strace s2  }
0xd: {  	s2 =	sld [smem:$0x3FFD];
	_ =	sdelay $0x3  }
0xe: {  	_ =	strace s2  }
0xf: {  	_ =	strace $0x8FFFFFFF  }
0x10: {  	s21 =	sld [smem:$0x3FDB];
	_ =	sdelay $0x1  }
0x11: {  	s4 =	simm.s32 $_scs_section_size  }
0x12: {  	s5 =	simm.s32 $_size__tile_overlayer_lowered;
	s6 =	simm.s32 $_tile_overlayer_lowered  }
0x13: {  	s7 =	simm.s32 $0x1BFF;
	s22 =	sshll.u32 s6, $0x1;
	s4 =	sadd.s32 s4, s21  }
0x14: {  	s23 =	simm.s32 $0x0;
	s5 =	sshll.u32 s5, $0x1;
	s6 =	sadd.s32 s22, s4  }
0x15: {  	[timem:s23], [sflag:s7] =	dma.local [hbm:s6], s5  }
0x16: {  	_ =	swait.ge [sflag:s7], s5  }
0x17: {  	s5 =	ssub.s32 $0x0, s5;
	[sflag:s7] =	ssyncset.done $0x0  }
0x18: {  	[sflag:s7] =	ssyncadd.s32 s5;
	_ =	sdelay $0x1  }
0x19: {  	s24 =	simm.s32 $0x1B8B  }
0x1a: {  	_ =	swait.ge [sflag:s24], $0x1  }
0x1b: {  	[sflag:s24] =	ssyncset.done $0x0  }
0x1c: {  	[sflag:s24] =	ssyncadd.s32 $0xFFFFFFFF  }
0x1d: {  	s5 =	sld [smem:$0x0]  }
0x1e: {  	s6 =	sand.u32 $0xFFFFFFFE, s1  }
0x1f: {  	p0 =	sne.s32 s1, s6  }
0x20: {  	s6 =	sshll.u32 @p0 s6, $0xE  }
0x21: {  	s6 =	sadd.s32 @p0 $0x11B8D, s6;
	s7 =	sshll.u32 @p0 s5, $0x11  }
0x22: {  	s6 =	sor.u32 @p0 s7, s6  }
0x23: {  	[sflag:s6] =	ssyncadd.remote.s32 @p0 $0x1;
	_ =	sdelay $0x1  }
0x24: {  	s6 =	simm.s32 @p0 $0x1B8D  }
0x25: {  	_ =	swait.eq @p0 [sflag:s6], $0x1  }
0x26: {  	[sflag:s6] =	ssyncadd.s32 @p0 $0xFFFFFFFF  }
0x27: {  	s7 =	sshll.u32 @!p0 s1, $0xE  }
0x28: {  	s7 =	sor.u32 @!p0 $0x4000, s7;
	s6 =	simm.s32 @!p0 $0x1B8D  }
0x29: {  	s5 =	sshll.u32 @!p0 s5, $0x11;
	s7 =	sadd.s32 @!p0 $0x11B8D, s7;
	_ =	swait.eq @!p0 [sflag:s6], $0x1  }
0x2a: {  	s5 =	sor.u32 @!p0 s5, s7;
	[sflag:s6] =	ssyncadd.s32 @!p0 $0xFFFFFFFF  }
0x2b: {  	s26 =	simm.s32 $0x1B8E;
	s25 =	sld [smem:$0x3FFE];
	[sflag:s5] =	ssyncadd.remote.s32 @!p0 $0x1  }
0x2c: {  	s27 =	simm.s32 $execute0_lowered;
	[smem:$0x3FD2] =	sst s26  }
0x2d: {  	s6 =	sshll.u32 s27, $0x1;
	_ =	strace $0x80000049;
	[dreg:$0x1] =	wrdreg $0xFFFFFFFF  }
0x2e: {  	s28 =	simm.s32 $_size_execute0_lowered;
	s4 =	sadd.s32 s4, s6;
	[dreg:$0x0] =	wrdreg $0x0  }
0x2f: {  	s6 =	sshll.u32 s28, $0x1;
	[dreg:$0x2] =	wrdreg s4  }
0x30: {  	[dreg:$0x3] =	wrdreg s6  }
0x31: {  	[dreg:$0x4] =	wrdreg $0xC0  }
0x32: {  	_ =	task [dreg:s23], $0x5FFFF  }
0x33: {  	[dreg:$0x1] =	wrdreg $0xFFFFFFFF  }
0x34: {  	[dreg:$0x0] =	wrdreg $0x60  }
0x35: {  	[dreg:$0x2] =	wrdreg s19  }
0x36: {  	[dreg:$0x3] =	wrdreg s25  }
0x37: {  	[dreg:$0x4] =	wrdreg $0x9  }
0x38: {  	_ =	task.clear_ibuf [dreg:s23], $0x5FFFF;
	_ =	strace $0x90000049  }
0x39: {  	s29 =	simm.s32 $0x9;
	_ =	strace $0x8000004B  }
0x3a: {  	_ =	swait.ge [sflag:s29], $0x1  }
0x3b: {  	[sflag:s29] =	ssyncadd.s32 $0xFFFFFFFF  }
0x3c: {  	_ =	strace $0x9000004B  }
0x3d: {  	_ =	sfence  }
0x3e: {  	s30 =	sld [smem:$0x0];
	_ =	sdelay $0x2  }
0x3f: {  	s31 =	sshll.u32 s1, $0xD;
	s1 =	sshrl.u32 s1, $0x2  }
0x40: {  	s4 =	sand.u32 $0x4000, s31;
	s1 =	sadd.s32 s1, s30  }
0x41: {  	s0 =	sor.u32 s4, s0;
	s1 =	sshll.u32 s1, $0x11  }
0x42: {  	s0 =	sor.u32 s1, s0  }
0x43: {  	s0 =	sadd.s32 $0x8F2B, s0  }
0x44: {  	[sflag:s0] =	ssyncadd.remote.s32 $0x1  }
0x45: {  	_ =	sfence.sel $0xFFFF  }
0x46: {  	[dreg:$0x0] =	wrdreg $0xFFFFFFFF;
	(pc) =	sbr.abs _section_cstart, $3  }
0x47: {  	[dreg:$0x1] =	wrdreg $0xFFFFFFFF  }
0x48: {  	_ =	task.clear_ibuf [dreg:s23], $0x2FFFF;
	_ =	strace $0x9FFFFFFF  }
0x49: {  	(tm) =	ssettm $0x7FFFFFFF  }
tec
execute0_lowered:
.L_overlay_start_1:
0x0: {  	(tag) =	ssettag $0x1  }
0x1: {  	s0 =	srdreg.scid  }
0x2: {  	s1 =	sshll.u32 s0, $0x4  }
0x3: {  	s2 =	rddreg [dreg:$0x0];
	s0 =	stileid.u32;
	s1 =	sand.u32 $0x10, s1  }
0x4: {  	s4 =	rddreg [dreg:$0x1];
	s7 =	simm.s32 $0x1;
	s1 =	sor.u32 s0, s1  }
0x5: {  	s8 =	simm.s32 $0x2;
	s9 =	simm.s32 $0x0;
	s3 =	sshll.u32 s1, $0x1  }
0x6: {  	s12 =	simm.s32 $0x0;
	s11 =	simm.s32 $0x0;
	s6 =	ssub.s32 $0x2000, s3  }
.Ltmp0:
0x7: {  	s4 =	sadd.s32 $0x801400, s4;
	s5 =	sand.u32 $0x3E, s6;
	(pc) =	sbr.rel .LBB1_1-.Ltmp0, $4  }
0x8: {  	s1 =	rddreg [dreg:$0x2];
	_ =	strace $0x8000004A;
	p0 =	sne.s32 s5, $0x0  }
0x9: {  	s6 =	sshrl.u32 s6, $0x6;
	s5 =	simm.s32 $0x1;
	s7 =	simm.s32 @!p0 $0x0  }
0xa: {  	s10 =	smov.u32 s3;
	[sflag:s5] =	ssyncpa.u1 $0x0;
	s6 =	sadd.s32 s7, s6  }
0xb: {  	[sflag:s8] =	ssyncpa.u1 $0x0;
	s8 =	simm.s32 $0x0;
	s7 =	sadd.s32 $0x1, s6  }
.LBB1_9:
0xc: {  	s14 =	sadd.s32 $0x40, s10  }
0xd: {  	p1 =	sgt.s32 s14, $0x1FFF  }
0xe: {  	s14 =	smov.u32 @p1 s3;
	p1 =	sne.s32 s11, s7  }
.Ltmp1:
0xf: {  	p0 =	slt.u32 s11, $0x2;
	(pc) =	sbr.rel @!p1 .LBB1_10-.Ltmp1, $4  }
0x10: {  	s13 =	simm.s32 @!p0 $0x2  }
0x11: {  	s15 =	sadd.s32 $0x1, s11;
	_ =	swait.ge @!p0 [sflag:s13], $0x4000  }
0x12: {  	s12 =	smov.u32 s10;
	s9 =	sadd.s32 $0x4000, s9;
	[sflag:s13] =	ssyncset.done @!p0 $0x0  }
0x13: {  	s11 =	smov.u32 s15;
	s10 =	smov.u32 s14;
	[sflag:s13] =	ssyncadd.s32 @!p0 $0xFFFFC000  }
.LBB1_1:
0x14: {  	p0 =	sge.u32 s11, s6  }
0x15: {  	s13 =	sxor.u32 @!p0 $0xFFFFFFFF, s11  }
0x16: {  	s31 =	sadd.s32 $0xFFFFFFFF, s11;
	s14 =	sshll.u32 @!p0 s10, $0xA;
	s13 =	sshll.u32 @!p0 s13, $0xE  }
0x17: {  	s15 =	simm.s32 @!p0 $0x0;
	s14 =	sadd.s32 @!p0 s2, s14;
	s13 =	sand.u32 @!p0 $0x4000, s13  }
0x18: {  	[tilespmem:s13], [sflag:$0x1] =	stream.linear.gather @!p0 [hbm4b:s14+s15], $0x4000, $0x38;
	[tilespmem:$0x10000] =	vst v63  }
0x19: {  	p0 =	sge.u32 s31, s6  }
.Ltmp2:
0x1a: {  	_ = 	snop;
	(pc) =	sbr.rel @p0 .LBB1_9-.Ltmp2, $1  }
0x1b: {  	_ =	sdelay $0x3  }
0x1c: {  	s13 =	sshll.u32 s9, $0x2  }
0x1d: {  	_ =	swait.ge [sflag:s5], $0x4000;
	s14 =	sshll.u32 s11, $0xE;
	s16 =	simm.s32 $0x0  }
0x1e: {  	p1 =	por $0x1, $0x1;
	s13 =	sand.u32 $0x10000, s13;
	[sflag:s5] =	ssyncset.done $0x0  }
0x1f: {  	s14 =	sand.u32 $0x4000, s14;
	s15 =	sshrl.u32 s13, $0x2;
	[sflag:s5] =	ssyncadd.s32 $0xFFFFC000  }
0x20: {  	s13 =	sor.u32 $0x8000, s14;
	s14 =	sadd.s32 $0x8040, s15;
	s15 =	sadd.s32 $0x40, s15  }
.LBB1_3:
0x21: {  	s16 =	sshll.u32 s16, $0x2  }
0x22: {  	p0 =	por p1, p1;
	s17 =	sshra.s32 s16, $0x2  }
0x23: {  	s18 =	simm.s32 $0x0;
	s16 =	sadd.s32 s17, s14;
	s17 =	sadd.s32 s17, s15  }
.LBB1_4:
0x24: {  	v0 =	vmov s17;
	_ =	sdelay $0x3  }
0x25: {  	s20 =	simm.s32 $0x0  }
0x26: {  	v6 =	vld.idx.msk [tilespmem:v0+s20+$0x30 ss:$0x1], $0xffff  }
0x27: {  	v7 =	vld.idx.msk [tilespmem:v0+s20+$0xFFFFFFC0 ss:$0x1], $0xffff  }
0x28: {  	v5 =	vld.idx.msk [tilespmem:v0+s20+$0xFFFFFFD0 ss:$0x1], $0xffff  }
0x29: {  	v4 =	vld.idx.msk [tilespmem:v0+s20+$0xFFFFFFE0 ss:$0x1], $0xffff  }
0x2a: {  	v3 =	vld.idx.msk [tilespmem:v0+s20+$0xFFFFFFF0 ss:$0x1], $0xffff  }
0x2b: {  	v1 =	vld.idx.msk [tilespmem:v0+s20+$0x0 ss:$0x1], $0xffff  }
0x2c: {  	v2 =	vld.idx.msk [tilespmem:v0+s20+$0x10 ss:$0x1], $0xffff;
	[tilespmem:s16+$0x30] =	vst v6  }
0x2d: {  	s19 =	simm.s32 $0x80;
	s21 =	simm.s32 $0x400;
	[tilespmem:s16+$0xFFFFFFC0] =	vst v7;
	v6 =	vld.idx.msk [tilespmem:v0+s20+$0x20 ss:$0x1], $0xffff;
	s20 =	smov.u32 s16  }
.LBB1_5:
0x2e: {  	p1 =	sne.s32 s21, $0xE00;
	v7 =	vld.idx.msk [tilespmem:v0+s19+$0x30 ss:$0x1], $0xffff;
	[tilespmem:s20+$0xFFFFFFD0] =	vst v5  }
0x2f: {  	v8 =	vld.idx.msk [tilespmem:v0+s19+$0xFFFFFFC0 ss:$0x1], $0xffff;
	[tilespmem:s20+$0xFFFFFFE0] =	vst v4  }
0x30: {  	v5 =	vld.idx.msk [tilespmem:v0+s19+$0xFFFFFFD0 ss:$0x1], $0xffff;
	[tilespmem:s20+$0xFFFFFFF0] =	vst v3  }
.Ltmp3:
0x31: {  	v4 =	vld.idx.msk [tilespmem:v0+s19+$0xFFFFFFE0 ss:$0x1], $0xffff;
	[tilespmem:s20+$0x0] =	vst v1;
	(pc) =	sbr.rel @p1 .LBB1_5-.Ltmp3, $4  }
0x32: {  	v3 =	vld.idx.msk [tilespmem:v0+s19+$0xFFFFFFF0 ss:$0x1], $0xffff;
	[tilespmem:s20+$0x10] =	vst v2  }
0x33: {  	v1 =	vld.idx.msk [tilespmem:v0+s19+$0x0 ss:$0x1], $0xffff;
	[tilespmem:s20+$0x20] =	vst v6;
	s20 =	sadd.s32 $0x400, s20  }
0x34: {  	v2 =	vld.idx.msk [tilespmem:v0+s19+$0x10 ss:$0x1], $0xffff;
	[tilespmem:s20+$0x30] =	vst v7  }
0x35: {  	[tilespmem:s20+$0xFFFFFFC0] =	vst v8;
	v6 =	vld.idx.msk [tilespmem:v0+s19+$0x20 ss:$0x1], $0xffff;
	s19 =	sshra.s32 s21, $0x2;
	s21 =	sadd.s32 $0x200, s21  }
0x36: {  	_ =	sdelay $0x2  }
0x37: {  	[tilespmem:s20+$0xFFFFFFD0] =	vst v5  }
0x38: {  	v56 =	vld.idx.msk [tilespmem:v0+s19+$0x30 ss:$0x1], $0xffff;
	[tilespmem:s20+$0xFFFFFFE0] =	vst v4  }
0x39: {  	v57 =	vld.idx.msk [tilespmem:v0+s19+$0xFFFFFFC0 ss:$0x1], $0xffff;
	[tilespmem:s20+$0xFFFFFFF0] =	vst v3  }
0x3a: {  	v58 =	vld.idx.msk [tilespmem:v0+s19+$0xFFFFFFD0 ss:$0x1], $0xffff;
	[tilespmem:s20+$0x0] =	vst v1  }
0x3b: {  	v59 =	vld.idx.msk [tilespmem:v0+s19+$0xFFFFFFE0 ss:$0x1], $0xffff;
	[tilespmem:s20+$0x10] =	vst v2  }
0x3c: {  	v60 =	vld.idx.msk [tilespmem:v0+s19+$0xFFFFFFF0 ss:$0x1], $0xffff;
	s31 =	sadd.s32 $0x400, s20;
	[tilespmem:s20+$0x20] =	vst v6  }
0x3d: {  	v61 =	vld.idx.msk [tilespmem:v0+s19+$0x0 ss:$0x1], $0xffff;
	[tilespmem:s31+$0x30] =	vst v56  }
0x3e: {  	v62 =	vld.idx.msk [tilespmem:v0+s19+$0x10 ss:$0x1], $0xffff;
	s18 =	sadd.s32 $0x1, s18;
	[tilespmem:s31+$0xFFFFFFC0] =	vst v57  }
0x3f: {  	v63 =	vld.idx.msk [tilespmem:v0+s19+$0x20 ss:$0x1], $0xffff;
	p1 =	sne.s32 s18, $0x8;
	[tilespmem:s31+$0xFFFFFFD0] =	vst v58  }
.Ltmp4:
0x40: {  	[tilespmem:s31+$0xFFFFFFE0] =	vst v59;
	(pc) =	sbr.rel @p1 .LBB1_4-.Ltmp4, $4  }
0x41: {  	[tilespmem:s31+$0xFFFFFFF0] =	vst v60  }
0x42: {  	[tilespmem:s31+$0x0] =	vst v61  }
0x43: {  	[tilespmem:s31+$0x10] =	vst v62  }
0x44: {  	s16 =	sadd.s32 $0x80, s16;
	s17 =	sadd.s32 $0x400, s17;
	[tilespmem:s31+$0x20] =	vst v63  }
.Ltmp5:
0x45: {  	(pc) =	sbr.rel @p0 .LBB1_3-.Ltmp5, $2  }
0x46: {  	_ =	sdelay $0x2  }
0x47: {  	s16 =	simm.s32 $0x2000;
	p1 =	por $0x0, $0x0  }
.Ltmp6:
0x48: {  	(pc) =	sbr.rel .LBB1_9-.Ltmp6, $4  }
0x49: {  	_ = 	snop  }
0x4a: {  	s12 =	sshll.u32 s12, $0xA  }
0x4b: {  	s12 =	sadd.s32 s4, s12  }
0x4c: {  	[hbm4b:s12+s8] =	stream.linear.scatter [tilespmem:s13], [sflag:$0x2], $0x4000, $0x38;
	[tilespmem:$0x10000] =	vst v63  }
.LBB1_10:
0x4d: {  	_ =	sfence.sel $0x180000  }
0x4e: {  	s2 =	simm.s32 $0x1;
	[bflag:$0x0] =	sbarrier.arrive $0xFFFF  }
0x4f: {  	s31 =	simm.s32 $0x2;
	[sflag:s2] =	ssyncpa.u1 $0x1  }
0x50: {  	[sflag:s31] =	ssyncpa.u1 $0x1  }
0x51: {  	p0 =	sne.s32 s0, $0x0;
	_ =	strace $0x9000004A  }
0x52: {  	s0 =	sadd.s32 @!p0 $0x100000, s1;
	[bflag:$0x2] =	sbarrier.arrive $0xFFFF  }
0x53: {  	[sflag:s0] =	ssyncadd.tile.s32 @!p0 $0x1;
	_ =	shalt  }
.Lfunc_end1:
_tile_overlayer_lowered:
.L_overlay_start_2:
0x54: {  	(tag) =	ssettag $0x2  }
0x55: {  	s0 =	rddreg [dreg:$0x0];
	s2 =	stileid.u32  }
0x56: {  	s1 =	rddreg [dreg:$0x1];
	p0 =	sne.s32 s2, $0x0  }
0x57: {  	s3 =	rddreg [dreg:$0x2];
	[bflag:$0x3] =	sbarrier.arrive $0xFFFF;
	s2 =	simm.s32 @!p0 $0x1C01  }
0x58: {  	[timem:s3], [sflag:s2] =	dma.local @!p0 [hbm:s0], s1  }
0x59: {  	s0 =	simm.s32 @!p0 $0x1  }
0x5a: {  	_ =	swait.ge @!p0 [sflag:s0], s1  }
0x5b: {  	s1 =	ssub.s32 @!p0 $0x0, s1;
	[sflag:s0] =	ssyncset.done @!p0 $0x0  }
0x5c: {  	[sflag:s0] =	ssyncadd.s32 @!p0 s1  }
0x5d: {  	[bflag:$0x3] =	sbarrier.arrive $0xFFFF  }
0x5e: {  	_ =	shalt  }

</sc_bundles>
